<compile_context>
chip_gen: v7x
topology: tpu7x:2x2x1
jax: 0.10.2.dev20260603
libtpu: 0.0.44.dev20260713+nightly
codegen_flags: <defaults>
</compile_context>

<pallas_src>
import functools

import jax
import jax.numpy as jnp
from jax import lax
from jax.experimental import pallas as pl
from jax.experimental.pallas import tpu as pltpu
from jax.experimental.pallas import tpu_sc as plsc

N_NODES = 10000
N_EDGES = 320000
T_DIM = 64
L_LAYERS = 4
LANES = 16
N_WORKERS = 32
N_PAD = N_NODES + LANES
EDGES_PER_W = N_EDGES // N_WORKERS
CAP = 720
BIN_WORDS = LANES * CAP
EBIN_TOTAL = N_WORKERS * BIN_WORDS
SPILL_WORDS = EDGES_PER_W + LANES
ESPILL_TOTAL = N_WORKERS * SPILL_WORDS
CHUNK = 9216
N_CHUNKS = EBIN_TOTAL // CHUNK

_mesh = plsc.VectorSubcoreMesh(core_axis_name="c", subcore_axis_name="s")
_sc_params = pltpu.CompilerParams(needs_layout_passes=False)


def _wid():
    return lax.axis_index("s") * 2 + lax.axis_index("c")


def _zero_f32(ref, n_words):
    z = jnp.zeros((LANES,), jnp.float32)

    @plsc.parallel_loop(0, n_words // LANES, unroll=8)
    def body(i):
        ref[pl.ds(i * LANES, LANES)] = z


def _sentinel_vec():
    lane = lax.iota(jnp.int32, LANES)
    node = lane + N_NODES
    return jnp.bitwise_or(node, lax.shift_left(node, 16))


@functools.partial(
    pl.kernel,
    out_type=(
        jax.ShapeDtypeStruct((N_WORKERS * N_NODES,), jnp.float32),
        jax.ShapeDtypeStruct((EBIN_TOTAL,), jnp.int32),
        jax.ShapeDtypeStruct((ESPILL_TOTAL,), jnp.int32),
        jax.ShapeDtypeStruct((N_WORKERS * LANES,), jnp.int32),
    ),
    mesh=_mesh,
    compiler_params=_sc_params,
    scratch_types=[
        pltpu.VMEM((EDGES_PER_W,), jnp.int32),
        pltpu.VMEM((N_NODES,), jnp.float32),
        pltpu.VMEM((BIN_WORDS,), jnp.int32),
        pltpu.VMEM((SPILL_WORDS,), jnp.int32),
        pltpu.VMEM((LANES,), jnp.int32),
        pltpu.VMEM((LANES,), jnp.int32),
        pltpu.VMEM((LANES,), jnp.int32),
    ],
)
def _bin_kernel(epk_hbm, degp_hbm, ebin_hbm, espill_hbm, ehdr_hbm,
                idx_v, deg_v, bin_v, sp_v, cnt_v, spc_v, hdr_v):
    w = _wid()
    pltpu.sync_copy(epk_hbm.at[pl.ds(w * EDGES_PER_W, EDGES_PER_W)], idx_v)
    _zero_f32(deg_v, N_NODES)
    sent = _sentinel_vec()

    @plsc.parallel_loop(0, CAP, unroll=8)
    def fill_bin(r):
        bin_v[pl.ds(r * LANES, LANES)] = sent

    @plsc.parallel_loop(0, SPILL_WORDS // LANES, unroll=8)
    def fill_sp(r):
        sp_v[pl.ds(r * LANES, LANES)] = sent

    zero_i = jnp.zeros((LANES,), jnp.int32)
    ones_i = jnp.ones((LANES,), jnp.int32)
    ones_f = jnp.ones((LANES,), jnp.float32)
    cnt_v[...] = zero_i
    spc_v[...] = zero_i

    def bbody(b, _):
        pk = idx_v[pl.ds(b * LANES, LANES)]
        srcv = jnp.bitwise_and(pk, 0xFFFF)
        dstv = lax.shift_right_logical(pk, 16)
        plsc.addupdate_scatter(deg_v, [srcv], ones_f)
        dig = jnp.bitwise_and(dstv, LANES - 1)
        base = plsc.load_gather(cnt_v, [dig])
        rank, _ = plsc.scan_count(dig)
        plsc.addupdate_scatter(cnt_v, [dig], ones_i)
        pos = base + rank
        okm = pos < CAP
        plsc.store_scatter(bin_v, [pos * LANES + dig], pk, mask=okm)
        spm = jnp.logical_not(okm)
        sbase = plsc.load_gather(spc_v, [zero_i])
        srank, _ = plsc.scan_count(zero_i, mask=spm)
        plsc.store_scatter(sp_v, [sbase + srank], pk, mask=spm)
        plsc.addupdate_scatter(spc_v, [zero_i], ones_i, mask=spm)
        return None

    lax.fori_loop(0, EDGES_PER_W // LANES, bbody, None)

    sct = jnp.max(spc_v[...])
    rounds = jnp.where(sct > 0, (sct + LANES) // LANES, 0)
    hdr_v[...] = jnp.full((LANES,), rounds, jnp.int32)
    pltpu.sync_copy(deg_v, degp_hbm.at[pl.ds(w * N_NODES, N_NODES)])
    pltpu.sync_copy(bin_v, ebin_hbm.at[pl.ds(w * BIN_WORDS, BIN_WORDS)])
    pltpu.sync_copy(sp_v, espill_hbm.at[pl.ds(w * SPILL_WORDS, SPILL_WORDS)])
    pltpu.sync_copy(hdr_v, ehdr_hbm.at[pl.ds(w * LANES, LANES)])


def _coeff_body(a1_ref, g_ref, b_ref, degp_ref, A_ref, B_ref, biasb_ref):
    deg = jnp.sum(degp_ref[...], axis=0, keepdims=True)
    ldeg = jnp.log(deg)
    for i in range(L_LAYERS):
        a1 = a1_ref[i]
        dp = jax.nn.sigmoid(g_ref[i])
        sw = jnp.exp(a1)
        nw = sw * jnp.tanh(a1)
        A_ref[pl.ds(i, 1), :] = sw * jnp.exp(dp * ldeg)
        B_ref[pl.ds(i, 1), :] = nw * jnp.exp((dp - 1.0) * ldeg)
        biasb_ref[pl.ds(i, 1), :] = jnp.full((1, 128), b_ref[i], jnp.float32)


def _coeff_call(a1, g, b, degp):
    return pl.pallas_call(
        _coeff_body,
        out_shape=(
            jax.ShapeDtypeStruct((L_LAYERS, N_NODES), jnp.float32),
            jax.ShapeDtypeStruct((L_LAYERS, N_NODES), jnp.float32),
            jax.ShapeDtypeStruct((L_LAYERS, 128), jnp.float32),
        ),
        in_specs=[
            pl.BlockSpec(memory_space=pltpu.SMEM),
            pl.BlockSpec(memory_space=pltpu.SMEM),
            pl.BlockSpec(memory_space=pltpu.SMEM),
            pl.BlockSpec(memory_space=pltpu.VMEM),
        ],
    )(a1, g, b, degp)


@functools.partial(
    pl.kernel,
    out_type=jax.ShapeDtypeStruct((T_DIM * N_NODES,), jnp.float32),
    mesh=_mesh,
    compiler_params=_sc_params,
    scratch_types=[
        pltpu.VMEM((N_PAD,), jnp.float32),
        pltpu.VMEM((N_PAD,), jnp.float32),
        pltpu.VMEM((N_PAD,), jnp.float32),
        pltpu.VMEM((N_PAD,), jnp.float32),
        pltpu.VMEM((N_NODES,), jnp.float32),
        pltpu.VMEM((N_NODES,), jnp.float32),
        pltpu.VMEM((N_PAD,), jnp.int32),
        pltpu.VMEM((CHUNK,), jnp.int32),
        pltpu.VMEM((CHUNK,), jnp.int32),
        pltpu.VMEM((L_LAYERS * 128,), jnp.float32),
        pltpu.VMEM((N_WORKERS * LANES,), jnp.int32),
        pltpu.VMEM((LANES,), jnp.int32),
        pltpu.SemaphoreType.DMA,
        pltpu.SemaphoreType.DMA,
        pltpu.SemaphoreType.DMA,
        pltpu.SemaphoreType.DMA,
    ],
)
def _main_kernel(x_hbm, ebin_hbm, espill_hbm, ehdr_hbm, A_hbm, B_hbm,
                 biasb_hbm, out_hbm,
                 x0, x1, S0, S1, Ab, Bb, xp, eb0, eb1, bb, hdrv, sbuf,
                 se0, se1, sA, sB):
    w = _wid()
    r0 = (2 * w) * N_NODES
    r1 = r0 + N_NODES
    pltpu.sync_copy(x_hbm.at[pl.ds(r0, N_NODES)], x0.at[pl.ds(0, N_NODES)])
    pltpu.sync_copy(x_hbm.at[pl.ds(r1, N_NODES)], x1.at[pl.ds(0, N_NODES)])
    pltpu.sync_copy(biasb_hbm, bb)
    pltpu.sync_copy(ehdr_hbm, hdrv)
    zpad = jnp.zeros((LANES,), jnp.float32)
    x0[pl.ds(N_NODES, LANES)] = zpad
    x1[pl.ds(N_NODES, LANES)] = zpad

    def pack_cols(a, b):
        return plsc.bitcast(
            plsc.pack(a, b, format=plsc.PackFormat.INTERLEAVED), jnp.int32)

    @plsc.parallel_loop(0, N_PAD // LANES, unroll=8)
    def initpack(n):
        sl = pl.ds(n * LANES, LANES)
        xp[sl] = pack_cols(x0[sl], x1[sl])

    def edge_start(g, buf, sem):
        pltpu.make_async_copy(ebin_hbm.at[pl.ds(g * CHUNK, CHUNK)], buf, sem).start()

    def edge_wait(buf, sem):
        pltpu.make_async_copy(ebin_hbm.at[pl.ds(0, CHUNK)], buf, sem).wait()

    def scatter_batch(pk):
        srcv = jnp.bitwise_and(pk, 0xFFFF)
        dstv = lax.shift_right_logical(pk, 16)
        g = plsc.load_gather(xp, [srcv])
        g0, g1 = plsc.unpack(
            plsc.bitcast(g, jnp.bfloat16),
            format=plsc.PackFormat.INTERLEAVED,
            preferred_element_type=jnp.float32)
        plsc.addupdate_scatter(S0, [dstv], g0)
        plsc.addupdate_scatter(S1, [dstv], g1)

    def process(buf):
        @plsc.parallel_loop(0, CHUNK // LANES, unroll=16)
        def body(b):
            scatter_batch(buf[pl.ds(b * LANES, LANES)])

    def layer(i, _):
        cpA = pltpu.make_async_copy(A_hbm.at[pl.ds(i * N_NODES, N_NODES)], Ab, sA)
        cpB = pltpu.make_async_copy(B_hbm.at[pl.ds(i * N_NODES, N_NODES)], Bb, sB)
        cpA.start()
        cpB.start()
        _zero_f32(S0, N_PAD)
        _zero_f32(S1, N_PAD)
        edge_start(0, eb0, se0)
        edge_start(1, eb1, se1)

        def chunk2(k, _):
            edge_wait(eb0, se0)
            process(eb0)

            @pl.when(2 * k + 2 < N_CHUNKS)
            def _():
                edge_start(2 * k + 2, eb0, se0)

            edge_wait(eb1, se1)
            process(eb1)

            @pl.when(2 * k + 3 < N_CHUNKS)
            def _():
                edge_start(2 * k + 3, eb1, se1)

            return None

        lax.fori_loop(0, N_CHUNKS // 2, chunk2, None)

        def spill_chunk(c, _):
            sr = jnp.max(hdrv[pl.ds(c * LANES, LANES)])

            @pl.when(sr > 0)
            def _():
                def srow(r, _2):
                    pltpu.sync_copy(
                        espill_hbm.at[pl.ds(c * SPILL_WORDS + r * LANES, LANES)],
                        sbuf)
                    scatter_batch(sbuf[...])
                    return None

                lax.fori_loop(0, sr, srow, None)

            return None

        lax.fori_loop(0, N_WORKERS, spill_chunk, None)

        cpA.wait()
        cpB.wait()
        bias_v = bb[pl.ds(i * 128, LANES)]

        @plsc.parallel_loop(0, N_NODES // LANES, unroll=8)
        def combine(n):
            sl = pl.ds(n * LANES, LANES)
            a = Ab[sl]
            bcoef = Bb[sl]
            nx0 = a * x0[sl] + bcoef * S0[sl] + bias_v
            nx1 = a * x1[sl] + bcoef * S1[sl] + bias_v
            x0[sl] = nx0
            x1[sl] = nx1
            xp[sl] = pack_cols(nx0, nx1)

        return None

    lax.fori_loop(0, L_LAYERS, layer, None)
    pltpu.sync_copy(x0.at[pl.ds(0, N_NODES)], out_hbm.at[pl.ds(r0, N_NODES)])
    pltpu.sync_copy(x1.at[pl.ds(0, N_NODES)], out_hbm.at[pl.ds(r1, N_NODES)])


def kernel(x, edge_index, alpha1, alpha2, gamma, bias):
    del alpha2
    src = edge_index[0].astype(jnp.int32)
    dst = edge_index[1].astype(jnp.int32)
    epk = jnp.bitwise_or(src, lax.shift_left(dst, 16))
    degp, ebin, espill, ehdr = _bin_kernel(epk)
    A, B, biasb = _coeff_call(
        alpha1.reshape(L_LAYERS), gamma.reshape(L_LAYERS),
        bias.reshape(L_LAYERS), degp.reshape(N_WORKERS, N_NODES))
    out = _main_kernel(
        x.reshape(T_DIM * N_NODES), ebin, espill, ehdr,
        A.reshape(L_LAYERS * N_NODES), B.reshape(L_LAYERS * N_NODES),
        biasb.reshape(L_LAYERS * 128))
    return out.reshape(T_DIM, N_NODES)

# --- scband reference (transcript-rebuilt; emitter-appended) ---
"""Pipeline reference for scband-joint-dgmrf-32624571580587 (READ-ONLY COPY).

The authoritative reference and input builder live on the scoring server;
editing this copy changes nothing except your own understanding.
"""

import jax, jax.numpy as jnp
import numpy as np

N_NODES = 10000
N_EDGES = 320000
T = 64
N_LAYERS = 4


def setup_inputs(seed: int = 0) -> dict:
    key = jax.random.key(seed)
    ks = jax.random.split(key, 8)
    x = jax.random.normal(ks[0], (T, N_NODES), dtype=jnp.float32)
    edge_index = jax.random.randint(ks[1], (2, N_EDGES), 0, N_NODES)
    # per-layer scalar parameters (shared='all' -> shape [1,1] each), stacked over layers
    alpha1 = 2.0 * jax.random.uniform(ks[2], (N_LAYERS, 1, 1), dtype=jnp.float32) - 1.0
    alpha2 = 2.0 * jax.random.uniform(ks[3], (N_LAYERS, 1, 1), dtype=jnp.float32) - 1.0
    gamma = 2.0 * jax.random.uniform(ks[4], (N_LAYERS, 1, 1), dtype=jnp.float32) - 1.0
    bias = 2.0 * jax.random.uniform(ks[5], (N_LAYERS, 1, 1), dtype=jnp.float32) - 1.0
    return {"x": x, "edge_index": edge_index, "alpha1": alpha1, "alpha2": alpha2, "gamma": gamma, "bias": bias}


def reference(x, edge_index, alpha1, alpha2, gamma, bias):
    transpose = False
    with_bias = True
    src = edge_index[0]
    dst = edge_index[1]
    n = x.shape[1]
    # unweighted: degrees = out-degree of edge_index[0], edge_weights = ones
    deg = jnp.zeros((n,), dtype=x.dtype).at[src].add(1.0)
    log_deg = jnp.log(deg)[None, :]  # [1, N]
    edge_w = jnp.ones((edge_index.shape[1],), dtype=x.dtype)

    def layer(xc, a1, a2, g, b):
        dp = jax.nn.sigmoid(g)               # degree_power, [1,1]
        self_w = jnp.exp(a1)                 # self_weight
        # NOTE: faithful to source bug: alpha2 property returns alpha1_param when shared != 'dynamics'
        neigh_w = self_w * jnp.tanh(a1)      # neighbor_weight
        weighted_repr = xc * jnp.exp(dp * log_deg)
        eld = log_deg[:, src] if transpose else log_deg[:, dst]  # [1, E]
        ew = jnp.exp((dp - 1.0) * eld) * edge_w[None, :]         # [1, E]
        msgs = xc[:, src] * ew                                    # [T, E] gather
        agg = jnp.zeros_like(xc).at[:, dst].add(msgs)             # scatter-add
        out = self_w * weighted_repr + neigh_w * agg
        if with_bias:
            out = out + b
        return out

    idxs = list(range(alpha1.shape[0]))
    if transpose:
        idxs = list(reversed(idxs))
    for i in idxs:
        x = layer(x, alpha1[i], alpha2[i], gamma[i], bias[i])
    return x

if __name__ == "__main__":
    import jax
    _d = setup_inputs()
    print(jax.jit(kernel)(*tuple(_d.values())))

</pallas_src>

<mosaic_0001>
#map = affine_map<(d0, d1) -> (0)>
module attributes {stable_mosaic.version = 14 : i64} {
  func.func @_bin_kernel(%arg0: i32, %arg1: i32, %arg2: memref<320000xi32, #tpu.memory_space<hbm>>, %arg3: memref<320000xf32, #tpu.memory_space<hbm>>, %arg4: memref<368640xi32, #tpu.memory_space<hbm>>, %arg5: memref<320512xi32, #tpu.memory_space<hbm>>, %arg6: memref<512xi32, #tpu.memory_space<hbm>>, %arg7: memref<10000xi32, #tpu.memory_space<vmem>>, %arg8: memref<10000xf32, #tpu.memory_space<vmem>>, %arg9: memref<11520xi32, #tpu.memory_space<vmem>>, %arg10: memref<10016xi32, #tpu.memory_space<vmem>>, %arg11: memref<16xi32, #tpu.memory_space<vmem>>, %arg12: memref<16xi32, #tpu.memory_space<vmem>>, %arg13: memref<16xi32, #tpu.memory_space<vmem>>) attributes {dimension_semantics = [#tpu.dimension_semantics<core_parallel>, #tpu.dimension_semantics<subcore_parallel>], iteration_bounds = array<i64: 2, 16>, scalar_prefetch = 0 : i64, scratch_operands = 7 : i64, tpu.core_type = #tpu.core_type<sc_vector_subcore>, window_params = [{transform_indices = #map}, {transform_indices = #map}, {transform_indices = #map}, {transform_indices = #map}, {transform_indices = #map}]} {
    %mul3A = arith.constant 2 : i32
    %mul3A_0 = arith.muli %arg1, %mul3A : i32
    %add3A = arith.addi %mul3A_0, %arg0 : i32
    %mul3A_1 = arith.constant 10000 : i32
    %mul3A_2 = arith.muli %add3A, %mul3A_1 : i32
    "tpu.region"() ({
      %run_scoped3A = tpu.sem_alloc : memref<!tpu.dma_semaphore, #tpu.memory_space<semaphore_mem>>
      %dma_start3A = tpu.memref_slice %arg2[%mul3A_2] : memref<320000xi32, #tpu.memory_space<hbm>> -> memref<10000xi32, #tpu.memory_space<hbm>>
      %dma_start3A_70 = tpu.memref_slice %arg2[%mul3A_2] : memref<320000xi32, #tpu.memory_space<hbm>> -> memref<10000xi32, #tpu.memory_space<hbm>>
      tpu.enqueue_dma source(%dma_start3A_70 : memref<10000xi32, #tpu.memory_space<hbm>>) target(%arg7 : memref<10000xi32, #tpu.memory_space<vmem>>) target_semaphore(%run_scoped3A : memref<!tpu.dma_semaphore, #tpu.memory_space<semaphore_mem>>)
      %dma_wait3A = tpu.memref_slice %arg2[%mul3A_2] : memref<320000xi32, #tpu.memory_space<hbm>> -> memref<10000xi32, #tpu.memory_space<hbm>>
      %dma_wait3A_71 = tpu.memref_slice %arg2[%mul3A_2] : memref<320000xi32, #tpu.memory_space<hbm>> -> memref<10000xi32, #tpu.memory_space<hbm>>
      tpu.wait_dma2 semaphore(%run_scoped3A : memref<!tpu.dma_semaphore, #tpu.memory_space<semaphore_mem>>) src(%dma_wait3A_71 : memref<10000xi32, #tpu.memory_space<hbm>>) dst(%arg7 : memref<10000xi32, #tpu.memory_space<vmem>>)
      tpu.yield
    }) : () -> ()
    %broadcast_in_dim3A = arith.constant 0.000000e+00 : f32
    %broadcast_in_dim3A_3 = vector.broadcast %broadcast_in_dim3A : f32 to vector<16xf32>
    %parallel_loop3A = arith.constant 0 : i32
    %parallel_loop3A_4 = arith.constant 625 : i32
    %parallel_loop3A_5 = arith.constant 1 : i32
    scf.for %parallel_loop3A_70 = %parallel_loop3A to %parallel_loop3A_4 step %parallel_loop3A_5  : i32 {
      %parallel_loop3A_71 = arith.constant 16 : i32
      %parallel_loop3A_72 = arith.muli %parallel_loop3A_70, %parallel_loop3A_71 : i32
      %parallel_loop3A_73 = arith.index_cast %parallel_loop3A_72 : i32 to index
      %parallel_loop3A_74 = tpu.vector_load %arg8[%parallel_loop3A_73] {strides = array<i32>} : memref<10000xf32, #tpu.memory_space<vmem>>, vector<16xf32>,
      tpu.vector_store %arg8[%parallel_loop3A_73], %broadcast_in_dim3A_3 {strides = array<i32>} : memref<10000xf32, #tpu.memory_space<vmem>>, vector<16xf32>,
    } {sc.loop_unroll_factor = 8 : i64, sc.parallel_access}
    %iota3A = tpu.iota {dimensions = array<i32: 0>} : vector<16xi32>
    %add3A_6 = arith.constant 10000 : i32
    %add3A_7 = vector.broadcast %add3A_6 : i32 to vector<16xi32>
    %add3A_8 = arith.addi %iota3A, %add3A_7 : vector<16xi32>
    %shift_left3A = arith.constant 16 : i32
    %shift_left3A_9 = vector.broadcast %shift_left3A : i32 to vector<16xi32>
    %shift_left3A_10 = arith.shli %add3A_8, %shift_left3A_9 : vector<16xi32>
    %or3A = arith.ori %add3A_8, %shift_left3A_10 : vector<16xi32>
    %parallel_loop3A_11 = arith.constant 0 : i32
    %parallel_loop3A_12 = arith.constant 720 : i32
    %parallel_loop3A_13 = arith.constant 1 : i32
    scf.for %parallel_loop3A_70 = %parallel_loop3A_11 to %parallel_loop3A_12 step %parallel_loop3A_13  : i32 {
      %parallel_loop3A_71 = arith.constant 16 : i32
      %parallel_loop3A_72 = arith.muli %parallel_loop3A_70, %parallel_loop3A_71 : i32
      %parallel_loop3A_73 = arith.index_cast %parallel_loop3A_72 : i32 to index
      %parallel_loop3A_74 = tpu.vector_load %arg9[%parallel_loop3A_73] {strides = array<i32>} : memref<11520xi32, #tpu.memory_space<vmem>>, vector<16xi32>,
      tpu.vector_store %arg9[%parallel_loop3A_73], %or3A {strides = array<i32>} : memref<11520xi32, #tpu.memory_space<vmem>>, vector<16xi32>,
    } {sc.loop_unroll_factor = 8 : i64, sc.parallel_access}
    %parallel_loop3A_14 = arith.constant 0 : i32
    %parallel_loop3A_15 = arith.constant 626 : i32
    %parallel_loop3A_16 = arith.constant 1 : i32
    scf.for %parallel_loop3A_70 = %parallel_loop3A_14 to %parallel_loop3A_15 step %parallel_loop3A_16  : i32 {
      %parallel_loop3A_71 = arith.constant 16 : i32
      %parallel_loop3A_72 = arith.muli %parallel_loop3A_70, %parallel_loop3A_71 : i32
      %parallel_loop3A_73 = arith.index_cast %parallel_loop3A_72 : i32 to index
      %parallel_loop3A_74 = tpu.vector_load %arg10[%parallel_loop3A_73] {strides = array<i32>} : memref<10016xi32, #tpu.memory_space<vmem>>, vector<16xi32>,
      tpu.vector_store %arg10[%parallel_loop3A_73], %or3A {strides = array<i32>} : memref<10016xi32, #tpu.memory_space<vmem>>, vector<16xi32>,
    } {sc.loop_unroll_factor = 8 : i64, sc.parallel_access}
    %broadcast_in_dim3A_17 = arith.constant 0 : i32
    %broadcast_in_dim3A_18 = vector.broadcast %broadcast_in_dim3A_17 : i32 to vector<16xi32>
    %broadcast_in_dim3A_19 = arith.constant 1 : i32
    %broadcast_in_dim3A_20 = vector.broadcast %broadcast_in_dim3A_19 : i32 to vector<16xi32>
    %broadcast_in_dim3A_21 = arith.constant 1.000000e+00 : f32
    %broadcast_in_dim3A_22 = vector.broadcast %broadcast_in_dim3A_21 : f32 to vector<16xf32>
    %swap3A = arith.constant 0 : index
    %swap3A_23 = tpu.vector_load %arg11[%swap3A] {strides = array<i32>} : memref<16xi32, #tpu.memory_space<vmem>>, vector<16xi32>,
    tpu.vector_store %arg11[%swap3A], %broadcast_in_dim3A_18 {strides = array<i32>} : memref<16xi32, #tpu.memory_space<vmem>>, vector<16xi32>,
    %swap3A_24 = arith.constant 0 : index
    %swap3A_25 = tpu.vector_load %arg12[%swap3A_24] {strides = array<i32>} : memref<16xi32, #tpu.memory_space<vmem>>, vector<16xi32>,
    tpu.vector_store %arg12[%swap3A_24], %broadcast_in_dim3A_18 {strides = array<i32>} : memref<16xi32, #tpu.memory_space<vmem>>, vector<16xi32>,
    %scan3A = arith.constant 0 : i32
    %scan3A_26 = arith.constant 625 : i32
    %scan3A_27 = arith.addi %scan3A, %scan3A_26 : i32
    %scan3A_28 = arith.constant 1 : i32
    scf.for %scan3A_70 = %scan3A to %scan3A_27 step %scan3A_28  : i32 {
      %mul3A_71 = arith.constant 16 : i32
      %mul3A_72 = arith.muli %scan3A_70, %mul3A_71 : i32
      %get3A_73 = arith.index_cast %mul3A_72 : i32 to index
      %get3A_74 = tpu.vector_load %arg7[%get3A_73] {strides = array<i32>} : memref<10000xi32, #tpu.memory_space<vmem>>, vector<16xi32>,
      %and3A_75 = arith.constant 65535 : i32
      %and3A_76 = vector.broadcast %and3A_75 : i32 to vector<16xi32>
      %and3A_77 = arith.andi %get3A_74, %and3A_76 : vector<16xi32>
      %shift_right_logical3A = arith.constant 16 : i32
      %shift_right_logical3A_78 = vector.broadcast %shift_right_logical3A : i32 to vector<16xi32>
      %shift_right_logical3A_79 = arith.shrui %get3A_74, %shift_right_logical3A_78 : vector<16xi32>
      tpu.vector_store_idx %arg8[%and3A_77], %broadcast_in_dim3A_22 {add = true} : memref<10000xf32, #tpu.memory_space<vmem>>[vector<16xi32>], vector<16xf32>,
      %and3A_80 = arith.constant 15 : i32
      %and3A_81 = vector.broadcast %and3A_80 : i32 to vector<16xi32>
      %and3A_82 = arith.andi %shift_right_logical3A_79, %and3A_81 : vector<16xi32>
      %gather3A = tpu.vector_load_idx %arg11[%and3A_82] : memref<16xi32, #tpu.memory_space<vmem>>[vector<16xi32>], vector<16xi32>,
      %broadcast_in_dim3A_83 = arith.constant true
      %broadcast_in_dim3A_84 = vector.broadcast %broadcast_in_dim3A_83 : i1 to vector<16xi1>
      %unique3A, %unique3A_85 = tpu.scan_count mask(%broadcast_in_dim3A_84 : vector<16xi1>) value(%and3A_82 : vector<16xi32>) : vector<16xi1>, vector<16xi32>
      tpu.vector_store_idx %arg11[%and3A_82], %broadcast_in_dim3A_20 {add = true} : memref<16xi32, #tpu.memory_space<vmem>>[vector<16xi32>], vector<16xi32>,
      %add3A_86 = arith.addi %gather3A, %unique3A_85 : vector<16xi32>
      %lt3A = arith.constant 720 : i32
      %lt3A_87 = vector.broadcast %lt3A : i32 to vector<16xi32>
      %lt3A_88 = arith.cmpi slt, %add3A_86, %lt3A_87 : vector<16xi32>
      %mul3A_89 = arith.constant 16 : i32
      %mul3A_90 = vector.broadcast %mul3A_89 : i32 to vector<16xi32>
      %mul3A_91 = arith.muli %add3A_86, %mul3A_90 : vector<16xi32>
      %add3A_92 = arith.addi %mul3A_91, %and3A_82 : vector<16xi32>
      tpu.vector_store_idx %arg9[%add3A_92], %get3A_74 masked %lt3A_88 : memref<11520xi32, #tpu.memory_space<vmem>>[vector<16xi32>], vector<16xi32>, vector<16xi1>
      %not3A = arith.constant dense<true> : vector<16xi1>
      %not3A_93 = arith.xori %lt3A_88, %not3A : vector<16xi1>
      %gather3A_94 = tpu.vector_load_idx %arg12[%broadcast_in_dim3A_18] : memref<16xi32, #tpu.memory_space<vmem>>[vector<16xi32>], vector<16xi32>,
      %unique3A_95, %unique3A_96 = tpu.scan_count mask(%not3A_93 : vector<16xi1>) value(%broadcast_in_dim3A_18 : vector<16xi32>) : vector<16xi1>, vector<16xi32>
      %add3A_97 = arith.addi %gather3A_94, %unique3A_96 : vector<16xi32>
      tpu.vector_store_idx %arg10[%add3A_97], %get3A_74 masked %not3A_93 : memref<10016xi32, #tpu.memory_space<vmem>>[vector<16xi32>], vector<16xi32>, vector<16xi1>
      tpu.vector_store_idx %arg12[%broadcast_in_dim3A_18], %broadcast_in_dim3A_20 masked %not3A_93 {add = true} : memref<16xi32, #tpu.memory_space<vmem>>[vector<16xi32>], vector<16xi32>, vector<16xi1>
    }
    %scan3A_29 = arith.constant 625 : i32
    %get3A = arith.constant 0 : index
    %get3A_30 = tpu.vector_load %arg12[%get3A] {strides = array<i32>} : memref<16xi32, #tpu.memory_space<vmem>>, vector<16xi32>,
    %reduce_max3A = arith.constant true
    %reduce_max3A_31 = vector.broadcast %reduce_max3A : i1 to vector<16xi1>
    %reduce_max3A_32 = arith.constant -2147483648 : i32
    %reduce_max3A_33 = vector.broadcast %reduce_max3A_32 : i32 to vector<16xi32>
    %reduce_max3A_34 = arith.xori %get3A_30, %reduce_max3A_33 : vector<16xi32>
    %reduce_max3A_35 = tpu.scan <max>, %reduce_max3A_34 masked %reduce_max3A_31 : vector<16xi32>, vector<16xi1> -> vector<16xi32>
    %reduce_max3A_36 = arith.xori %reduce_max3A_35, %reduce_max3A_33 : vector<16xi32>
    %reduce_max3A_37 = vector.extract %reduce_max3A_36[15] : i32 from vector<16xi32>
    %gt3A = arith.constant 0 : i32
    %gt3A_38 = arith.cmpi sgt, %reduce_max3A_37, %gt3A : i32
    %add3A_39 = arith.constant 16 : i32
    %add3A_40 = arith.addi %reduce_max3A_37, %add3A_39 : i32
    %jit3A = arith.constant 16 : i32
    %div3A = arith.divsi %add3A_40, %jit3A : i32
    %sign3A = arith.constant 0 : i32
    %sign3A_41 = arith.cmpi sgt, %add3A_40, %sign3A : i32
    %sign3A_42 = arith.extui %sign3A_41 : i1 to i32
    %sign3A_43 = arith.constant 0 : i32
    %sign3A_44 = arith.cmpi slt, %add3A_40, %sign3A_43 : i32
    %sign3A_45 = arith.extui %sign3A_44 : i1 to i32
    %sign3A_46 = arith.subi %sign3A_42, %sign3A_45 : i32
    %sign3A_47 = arith.constant 0 : i32
    %sign3A_48 = arith.cmpi sgt, %jit3A, %sign3A_47 : i32
    %sign3A_49 = arith.extui %sign3A_48 : i1 to i32
    %sign3A_50 = arith.constant 0 : i32
    %sign3A_51 = arith.cmpi slt, %jit3A, %sign3A_50 : i32
    %sign3A_52 = arith.extui %sign3A_51 : i1 to i32
    %sign3A_53 = arith.subi %sign3A_49, %sign3A_52 : i32
    %ne3A = arith.cmpi ne, %sign3A_46, %sign3A_53 : i32
    %rem3A = arith.remsi %add3A_40, %jit3A : i32
    %ne3A_54 = arith.constant 0 : i32
    %ne3A_55 = arith.cmpi ne, %rem3A, %ne3A_54 : i32
    %and3A = arith.andi %ne3A, %ne3A_55 : i1
    %sub3A = arith.constant 1 : i32
    %sub3A_56 = arith.subi %div3A, %sub3A : i32
    %select_n3A = arith.select %and3A, %sub3A_56, %div3A : i32
    %jit3A_57 = arith.constant 0 : i32
    %select_n3A_58 = arith.select %gt3A_38, %select_n3A, %jit3A_57 : i32
    %broadcast_in_dim3A_59 = vector.broadcast %select_n3A_58 : i32 to vector<16xi32>
    %swap3A_60 = arith.constant 0 : index
    %swap3A_61 = tpu.vector_load %arg13[%swap3A_60] {strides = array<i32>} : memref<16xi32, #tpu.memory_space<vmem>>, vector<16xi32>,
    tpu.vector_store %arg13[%swap3A_60], %broadcast_in_dim3A_59 {strides = array<i32>} : memref<16xi32, #tpu.memory_space<vmem>>, vector<16xi32>,
    %mul3A_62 = arith.constant 10000 : i32
    %mul3A_63 = arith.muli %add3A, %mul3A_62 : i32
    "tpu.region"() ({
      %run_scoped3A = tpu.sem_alloc : memref<!tpu.dma_semaphore, #tpu.memory_space<semaphore_mem>>
      %dma_start3A = tpu.memref_slice %arg3[%mul3A_63] : memref<320000xf32, #tpu.memory_space<hbm>> -> memref<10000xf32, #tpu.memory_space<hbm>>
      %dma_start3A_70 = tpu.memref_slice %arg3[%mul3A_63] : memref<320000xf32, #tpu.memory_space<hbm>> -> memref<10000xf32, #tpu.memory_space<hbm>>
      tpu.enqueue_dma source(%arg8 : memref<10000xf32, #tpu.memory_space<vmem>>) target(%dma_start3A_70 : memref<10000xf32, #tpu.memory_space<hbm>>) target_semaphore(%run_scoped3A : memref<!tpu.dma_semaphore, #tpu.memory_space<semaphore_mem>>)
      %dma_wait3A = tpu.memref_slice %arg3[%mul3A_63] : memref<320000xf32, #tpu.memory_space<hbm>> -> memref<10000xf32, #tpu.memory_space<hbm>>
      %dma_wait3A_71 = tpu.memref_slice %arg3[%mul3A_63] : memref<320000xf32, #tpu.memory_space<hbm>> -> memref<10000xf32, #tpu.memory_space<hbm>>
      tpu.wait_dma2 semaphore(%run_scoped3A : memref<!tpu.dma_semaphore, #tpu.memory_space<semaphore_mem>>) src(%arg8 : memref<10000xf32, #tpu.memory_space<vmem>>) dst(%dma_wait3A_71 : memref<10000xf32, #tpu.memory_space<hbm>>)
      tpu.yield
    }) : () -> ()
    %mul3A_64 = arith.constant 11520 : i32
    %mul3A_65 = arith.muli %add3A, %mul3A_64 : i32
    "tpu.region"() ({
      %run_scoped3A = tpu.sem_alloc : memref<!tpu.dma_semaphore, #tpu.memory_space<semaphore_mem>>
      %dma_start3A = tpu.memref_slice %arg4[%mul3A_65] : memref<368640xi32, #tpu.memory_space<hbm>> -> memref<11520xi32, #tpu.memory_space<hbm>>
      %dma_start3A_70 = tpu.memref_slice %arg4[%mul3A_65] : memref<368640xi32, #tpu.memory_space<hbm>> -> memref<11520xi32, #tpu.memory_space<hbm>>
      tpu.enqueue_dma source(%arg9 : memref<11520xi32, #tpu.memory_space<vmem>>) target(%dma_start3A_70 : memref<11520xi32, #tpu.memory_space<hbm>>) target_semaphore(%run_scoped3A : memref<!tpu.dma_semaphore, #tpu.memory_space<semaphore_mem>>)
      %dma_wait3A = tpu.memref_slice %arg4[%mul3A_65] : memref<368640xi32, #tpu.memory_space<hbm>> -> memref<11520xi32, #tpu.memory_space<hbm>>
      %dma_wait3A_71 = tpu.memref_slice %arg4[%mul3A_65] : memref<368640xi32, #tpu.memory_space<hbm>> -> memref<11520xi32, #tpu.memory_space<hbm>>
      tpu.wait_dma2 semaphore(%run_scoped3A : memref<!tpu.dma_semaphore, #tpu.memory_space<semaphore_mem>>) src(%arg9 : memref<11520xi32, #tpu.memory_space<vmem>>) dst(%dma_wait3A_71 : memref<11520xi32, #tpu.memory_space<hbm>>)
      tpu.yield
    }) : () -> ()
    %mul3A_66 = arith.constant 10016 : i32
    %mul3A_67 = arith.muli %add3A, %mul3A_66 : i32
    "tpu.region"() ({
      %run_scoped3A = tpu.sem_alloc : memref<!tpu.dma_semaphore, #tpu.memory_space<semaphore_mem>>
      %dma_start3A = tpu.memref_slice %arg5[%mul3A_67] : memref<320512xi32, #tpu.memory_space<hbm>> -> memref<10016xi32, #tpu.memory_space<hbm>>
      %dma_start3A_70 = tpu.memref_slice %arg5[%mul3A_67] : memref<320512xi32, #tpu.memory_space<hbm>> -> memref<10016xi32, #tpu.memory_space<hbm>>
      tpu.enqueue_dma source(%arg10 : memref<10016xi32, #tpu.memory_space<vmem>>) target(%dma_start3A_70 : memref<10016xi32, #tpu.memory_space<hbm>>) target_semaphore(%run_scoped3A : memref<!tpu.dma_semaphore, #tpu.memory_space<semaphore_mem>>)
      %dma_wait3A = tpu.memref_slice %arg5[%mul3A_67] : memref<320512xi32, #tpu.memory_space<hbm>> -> memref<10016xi32, #tpu.memory_space<hbm>>
      %dma_wait3A_71 = tpu.memref_slice %arg5[%mul3A_67] : memref<320512xi32, #tpu.memory_space<hbm>> -> memref<10016xi32, #tpu.memory_space<hbm>>
      tpu.wait_dma2 semaphore(%run_scoped3A : memref<!tpu.dma_semaphore, #tpu.memory_space<semaphore_mem>>) src(%arg10 : memref<10016xi32, #tpu.memory_space<vmem>>) dst(%dma_wait3A_71 : memref<10016xi32, #tpu.memory_space<hbm>>)
      tpu.yield
    }) : () -> ()
    %mul3A_68 = arith.constant 16 : i32
    %mul3A_69 = arith.muli %add3A, %mul3A_68 : i32
    "tpu.region"() ({
      %run_scoped3A = tpu.sem_alloc : memref<!tpu.dma_semaphore, #tpu.memory_space<semaphore_mem>>
      %dma_start3A = tpu.memref_slice %arg6[%mul3A_69] : memref<512xi32, #tpu.memory_space<hbm>> -> memref<16xi32, #tpu.memory_space<hbm>>
      %dma_start3A_70 = tpu.memref_slice %arg6[%mul3A_69] : memref<512xi32, #tpu.memory_space<hbm>> -> memref<16xi32, #tpu.memory_space<hbm>>
      tpu.enqueue_dma source(%arg13 : memref<16xi32, #tpu.memory_space<vmem>>) target(%dma_start3A_70 : memref<16xi32, #tpu.memory_space<hbm>>) target_semaphore(%run_scoped3A : memref<!tpu.dma_semaphore, #tpu.memory_space<semaphore_mem>>)
      %dma_wait3A = tpu.memref_slice %arg6[%mul3A_69] : memref<512xi32, #tpu.memory_space<hbm>> -> memref<16xi32, #tpu.memory_space<hbm>>
      %dma_wait3A_71 = tpu.memref_slice %arg6[%mul3A_69] : memref<512xi32, #tpu.memory_space<hbm>> -> memref<16xi32, #tpu.memory_space<hbm>>
      tpu.wait_dma2 semaphore(%run_scoped3A : memref<!tpu.dma_semaphore, #tpu.memory_space<semaphore_mem>>) src(%arg13 : memref<16xi32, #tpu.memory_space<vmem>>) dst(%dma_wait3A_71 : memref<16xi32, #tpu.memory_space<hbm>>)
      tpu.yield
    }) : () -> ()
    return
  }
}

#map = affine_map<(d0, d1) -> (0)>
module attributes {stable_mosaic.version = 14 : i64} {
  func.func @_main_kernel(%arg0: i32, %arg1: i32, %arg2: memref<640000xf32, #tpu.memory_space<hbm>>, %arg3: memref<368640xi32, #tpu.memory_space<hbm>>, %arg4: memref<320512xi32, #tpu.memory_space<hbm>>, %arg5: memref<512xi32, #tpu.memory_space<hbm>>, %arg6: memref<40000xf32, #tpu.memory_space<hbm>>, %arg7: memref<40000xf32, #tpu.memory_space<hbm>>, %arg8: memref<512xf32, #tpu.memory_space<hbm>>, %arg9: memref<640000xf32, #tpu.memory_space<hbm>>, %arg10: memref<10016xf32, #tpu.memory_space<vmem>>, %arg11: memref<10016xf32, #tpu.memory_space<vmem>>, %arg12: memref<10016xf32, #tpu.memory_space<vmem>>, %arg13: memref<10016xf32, #tpu.memory_space<vmem>>, %arg14: memref<10000xf32, #tpu.memory_space<vmem>>, %arg15: memref<10000xf32, #tpu.memory_space<vmem>>, %arg16: memref<10016xi32, #tpu.memory_space<vmem>>, %arg17: memref<9216xi32, #tpu.memory_space<vmem>>, %arg18: memref<9216xi32, #tpu.memory_space<vmem>>, %arg19: memref<512xf32, #tpu.memory_space<vmem>>, %arg20: memref<512xi32, #tpu.memory_space<vmem>>, %arg21: memref<16xi32, #tpu.memory_space<vmem>>, %arg22: memref<!tpu.dma_semaphore, #tpu.memory_space<semaphore_mem>>, %arg23: memref<!tpu.dma_semaphore, #tpu.memory_space<semaphore_mem>>, %arg24: memref<!tpu.dma_semaphore, #tpu.memory_space<semaphore_mem>>, %arg25: memref<!tpu.dma_semaphore, #tpu.memory_space<semaphore_mem>>) attributes {dimension_semantics = [#tpu.dimension_semantics<core_parallel>, #tpu.dimension_semantics<subcore_parallel>], iteration_bounds = array<i64: 2, 16>, scalar_prefetch = 0 : i64, scratch_operands = 16 : i64, tpu.core_type = #tpu.core_type<sc_vector_subcore>, window_params = [{transform_indices = #map}, {transform_indices = #map}, {transform_indices = #map}, {transform_indices = #map}, {transform_indices = #map}, {transform_indices = #map}, {transform_indices = #map}, {transform_indices = #map}]} {
    %mul3A = arith.constant 2 : i32
    %mul3A_0 = arith.muli %arg1, %mul3A : i32
    %add3A = arith.addi %mul3A_0, %arg0 : i32
    %mul3A_1 = arith.constant 2 : i32
    %mul3A_2 = arith.muli %mul3A_1, %add3A : i32
    %mul3A_3 = arith.constant 10000 : i32
    %mul3A_4 = arith.muli %mul3A_2, %mul3A_3 : i32
    %add3A_5 = arith.constant 10000 : i32
    %add3A_6 = arith.addi %mul3A_4, %add3A_5 : i32
    "tpu.region"() ({
      %run_scoped3A = tpu.sem_alloc : memref<!tpu.dma_semaphore, #tpu.memory_space<semaphore_mem>>
      %dma_start3A = arith.constant 0 : i32
      %dma_start3A_17 = tpu.memref_slice %arg10[%dma_start3A] : memref<10016xf32, #tpu.memory_space<vmem>> -> memref<10000xf32, #tpu.memory_space<vmem>>
      %dma_start3A_18 = tpu.memref_slice %arg2[%mul3A_4] : memref<640000xf32, #tpu.memory_space<hbm>> -> memref<10000xf32, #tpu.memory_space<hbm>>
      %dma_start3A_19 = arith.constant 0 : i32
      %dma_start3A_20 = tpu.memref_slice %arg10[%dma_start3A_19] : memref<10016xf32, #tpu.memory_space<vmem>> -> memref<10000xf32, #tpu.memory_space<vmem>>
      %dma_start3A_21 = tpu.memref_slice %arg2[%mul3A_4] : memref<640000xf32, #tpu.memory_space<hbm>> -> memref<10000xf32, #tpu.memory_space<hbm>>
      tpu.enqueue_dma source(%dma_start3A_21 : memref<10000xf32, #tpu.memory_space<hbm>>) target(%dma_start3A_20 : memref<10000xf32, #tpu.memory_space<vmem>>) target_semaphore(%run_scoped3A : memref<!tpu.dma_semaphore, #tpu.memory_space<semaphore_mem>>)
      %dma_wait3A = arith.constant 0 : i32
      %dma_wait3A_22 = tpu.memref_slice %arg10[%dma_wait3A] : memref<10016xf32, #tpu.memory_space<vmem>> -> memref<10000xf32, #tpu.memory_space<vmem>>
      %dma_wait3A_23 = tpu.memref_slice %arg2[%mul3A_4] : memref<640000xf32, #tpu.memory_space<hbm>> -> memref<10000xf32, #tpu.memory_space<hbm>>
      %dma_wait3A_24 = arith.constant 0 : i32
      %dma_wait3A_25 = tpu.memref_slice %arg10[%dma_wait3A_24] : memref<10016xf32, #tpu.memory_space<vmem>> -> memref<10000xf32, #tpu.memory_space<vmem>>
      %dma_wait3A_26 = tpu.memref_slice %arg2[%mul3A_4] : memref<640000xf32, #tpu.memory_space<hbm>> -> memref<10000xf32, #tpu.memory_space<hbm>>
      tpu.wait_dma2 semaphore(%run_scoped3A : memref<!tpu.dma_semaphore, #tpu.memory_space<semaphore_mem>>) src(%dma_wait3A_26 : memref<10000xf32, #tpu.memory_space<hbm>>) dst(%dma_wait3A_25 : memref<10000xf32, #tpu.memory_space<vmem>>)
      tpu.yield
    }) : () -> ()
    "tpu.region"() ({
      %run_scoped3A = tpu.sem_alloc : memref<!tpu.dma_semaphore, #tpu.memory_space<semaphore_mem>>
      %dma_start3A = arith.constant 0 : i32
      %dma_start3A_17 = tpu.memref_slice %arg11[%dma_start3A] : memref<10016xf32, #tpu.memory_space<vmem>> -> memref<10000xf32, #tpu.memory_space<vmem>>
      %dma_start3A_18 = tpu.memref_slice %arg2[%add3A_6] : memref<640000xf32, #tpu.memory_space<hbm>> -> memref<10000xf32, #tpu.memory_space<hbm>>
      %dma_start3A_19 = arith.constant 0 : i32
      %dma_start3A_20 = tpu.memref_slice %arg11[%dma_start3A_19] : memref<10016xf32, #tpu.memory_space<vmem>> -> memref<10000xf32, #tpu.memory_space<vmem>>
      %dma_start3A_21 = tpu.memref_slice %arg2[%add3A_6] : memref<640000xf32, #tpu.memory_space<hbm>> -> memref<10000xf32, #tpu.memory_space<hbm>>
      tpu.enqueue_dma source(%dma_start3A_21 : memref<10000xf32, #tpu.memory_space<hbm>>) target(%dma_start3A_20 : memref<10000xf32, #tpu.memory_space<vmem>>) target_semaphore(%run_scoped3A : memref<!tpu.dma_semaphore, #tpu.memory_space<semaphore_mem>>)
      %dma_wait3A = arith.constant 0 : i32
      %dma_wait3A_22 = tpu.memref_slice %arg11[%dma_wait3A] : memref<10016xf32, #tpu.memory_space<vmem>> -> memref<10000xf32, #tpu.memory_space<vmem>>
      %dma_wait3A_23 = tpu.memref_slice %arg2[%add3A_6] : memref<640000xf32, #tpu.memory_space<hbm>> -> memref<10000xf32, #tpu.memory_space<hbm>>
      %dma_wait3A_24 = arith.constant 0 : i32
      %dma_wait3A_25 = tpu.memref_slice %arg11[%dma_wait3A_24] : memref<10016xf32, #tpu.memory_space<vmem>> -> memref<10000xf32, #tpu.memory_space<vmem>>
      %dma_wait3A_26 = tpu.memref_slice %arg2[%add3A_6] : memref<640000xf32, #tpu.memory_space<hbm>> -> memref<10000xf32, #tpu.memory_space<hbm>>
      tpu.wait_dma2 semaphore(%run_scoped3A : memref<!tpu.dma_semaphore, #tpu.memory_space<semaphore_mem>>) src(%dma_wait3A_26 : memref<10000xf32, #tpu.memory_space<hbm>>) dst(%dma_wait3A_25 : memref<10000xf32, #tpu.memory_space<vmem>>)
      tpu.yield
    }) : () -> ()
    "tpu.region"() ({
      %run_scoped3A = tpu.sem_alloc : memref<!tpu.dma_semaphore, #tpu.memory_space<semaphore_mem>>
      tpu.enqueue_dma source(%arg8 : memref<512xf32, #tpu.memory_space<hbm>>) target(%arg19 : memref<512xf32, #tpu.memory_space<vmem>>) target_semaphore(%run_scoped3A : memref<!tpu.dma_semaphore, #tpu.memory_space<semaphore_mem>>)
      tpu.wait_dma2 semaphore(%run_scoped3A : memref<!tpu.dma_semaphore, #tpu.memory_space<semaphore_mem>>) src(%arg8 : memref<512xf32, #tpu.memory_space<hbm>>) dst(%arg19 : memref<512xf32, #tpu.memory_space<vmem>>)
      tpu.yield
    }) : () -> ()
    "tpu.region"() ({
      %run_scoped3A = tpu.sem_alloc : memref<!tpu.dma_semaphore, #tpu.memory_space<semaphore_mem>>
      tpu.enqueue_dma source(%arg5 : memref<512xi32, #tpu.memory_space<hbm>>) target(%arg20 : memref<512xi32, #tpu.memory_space<vmem>>) target_semaphore(%run_scoped3A : memref<!tpu.dma_semaphore, #tpu.memory_space<semaphore_mem>>)
      tpu.wait_dma2 semaphore(%run_scoped3A : memref<!tpu.dma_semaphore, #tpu.memory_space<semaphore_mem>>) src(%arg5 : memref<512xi32, #tpu.memory_space<hbm>>) dst(%arg20 : memref<512xi32, #tpu.memory_space<vmem>>)
      tpu.yield
    }) : () -> ()
    %broadcast_in_dim3A = arith.constant 0.000000e+00 : f32
    %broadcast_in_dim3A_7 = vector.broadcast %broadcast_in_dim3A : f32 to vector<16xf32>
    %swap3A = arith.constant 10000 : index
    %swap3A_8 = tpu.vector_load %arg10[%swap3A] {strides = array<i32>} : memref<10016xf32, #tpu.memory_space<vmem>>, vector<16xf32>,
    tpu.vector_store %arg10[%swap3A], %broadcast_in_dim3A_7 {strides = array<i32>} : memref<10016xf32, #tpu.memory_space<vmem>>, vector<16xf32>,
    %swap3A_9 = arith.constant 10000 : index
    %swap3A_10 = tpu.vector_load %arg11[%swap3A_9] {strides = array<i32>} : memref<10016xf32, #tpu.memory_space<vmem>>, vector<16xf32>,
    tpu.vector_store %arg11[%swap3A_9], %broadcast_in_dim3A_7 {strides = array<i32>} : memref<10016xf32, #tpu.memory_space<vmem>>, vector<16xf32>,
    %parallel_loop3A = arith.constant 0 : i32
    %parallel_loop3A_11 = arith.constant 626 : i32
    %parallel_loop3A_12 = arith.constant 1 : i32
    scf.for %parallel_loop3A_17 = %parallel_loop3A to %parallel_loop3A_11 step %parallel_loop3A_12  : i32 {
      %parallel_loop3A_18 = arith.constant 16 : i32
      %parallel_loop3A_19 = arith.muli %parallel_loop3A_17, %parallel_loop3A_18 : i32
      %parallel_loop3A_20 = arith.index_cast %parallel_loop3A_19 : i32 to index
      %parallel_loop3A_21 = tpu.vector_load %arg10[%parallel_loop3A_20] {strides = array<i32>} : memref<10016xf32, #tpu.memory_space<vmem>>, vector<16xf32>,
      %parallel_loop3A_22 = arith.index_cast %parallel_loop3A_19 : i32 to index
      %parallel_loop3A_23 = tpu.vector_load %arg11[%parallel_loop3A_22] {strides = array<i32>} : memref<10016xf32, #tpu.memory_space<vmem>>, vector<16xf32>,
      %parallel_loop3A_24 = tpu.pack_subelements %parallel_loop3A_21, %parallel_loop3A_23 {pack_format = #tpu.pack_format<interleaved>, positions = array<i32: 0, 1>} : vector<16xf32>, vector<16xf32> -> vector<32xbf16>
      %parallel_loop3A_25 = vector.bitcast %parallel_loop3A_24 : vector<32xbf16> to vector<16xi32>
      %parallel_loop3A_26 = arith.index_cast %parallel_loop3A_19 : i32 to index
      %parallel_loop3A_27 = tpu.vector_load %arg16[%parallel_loop3A_26] {strides = array<i32>} : memref<10016xi32, #tpu.memory_space<vmem>>, vector<16xi32>,
      tpu.vector_store %arg16[%parallel_loop3A_26], %parallel_loop3A_25 {strides = array<i32>} : memref<10016xi32, #tpu.memory_space<vmem>>, vector<16xi32>,
    } {sc.loop_unroll_factor = 8 : i64, sc.parallel_access}
    %scan3A = arith.constant 0 : i32
    %scan3A_13 = arith.constant 4 : i32
    %scan3A_14 = arith.addi %scan3A, %scan3A_13 : i32
    %scan3A_15 = arith.constant 1 : i32
    scf.for %scan3A_17 = %scan3A to %scan3A_14 step %scan3A_15  : i32 {
      %mul3A_18 = arith.constant 10000 : i32
      %mul3A_19 = arith.muli %scan3A_17, %mul3A_18 : i32
      %mul3A_20 = arith.constant 10000 : i32
      %mul3A_21 = arith.muli %scan3A_17, %mul3A_20 : i32
      %dma_start3A = tpu.memref_slice %arg6[%mul3A_19] : memref<40000xf32, #tpu.memory_space<hbm>> -> memref<10000xf32, #tpu.memory_space<hbm>>
      %dma_start3A_22 = tpu.memref_slice %arg6[%mul3A_19] : memref<40000xf32, #tpu.memory_space<hbm>> -> memref<10000xf32, #tpu.memory_space<hbm>>
      tpu.enqueue_dma source(%dma_start3A_22 : memref<10000xf32, #tpu.memory_space<hbm>>) target(%arg14 : memref<10000xf32, #tpu.memory_space<vmem>>) target_semaphore(%arg24 : memref<!tpu.dma_semaphore, #tpu.memory_space<semaphore_mem>>)
      %dma_start3A_23 = tpu.memref_slice %arg7[%mul3A_21] : memref<40000xf32, #tpu.memory_space<hbm>> -> memref<10000xf32, #tpu.memory_space<hbm>>
      %dma_start3A_24 = tpu.memref_slice %arg7[%mul3A_21] : memref<40000xf32, #tpu.memory_space<hbm>> -> memref<10000xf32, #tpu.memory_space<hbm>>
      tpu.enqueue_dma source(%dma_start3A_24 : memref<10000xf32, #tpu.memory_space<hbm>>) target(%arg15 : memref<10000xf32, #tpu.memory_space<vmem>>) target_semaphore(%arg25 : memref<!tpu.dma_semaphore, #tpu.memory_space<semaphore_mem>>)
      %broadcast_in_dim3A_25 = arith.constant 0.000000e+00 : f32
      %broadcast_in_dim3A_26 = vector.broadcast %broadcast_in_dim3A_25 : f32 to vector<16xf32>
      %parallel_loop3A_27 = arith.constant 0 : i32
      %parallel_loop3A_28 = arith.constant 626 : i32
      %parallel_loop3A_29 = arith.constant 1 : i32
      scf.for %parallel_loop3A_62 = %parallel_loop3A_27 to %parallel_loop3A_28 step %parallel_loop3A_29  : i32 {
        %parallel_loop3A_63 = arith.constant 16 : i32
        %parallel_loop3A_64 = arith.muli %parallel_loop3A_62, %parallel_loop3A_63 : i32
        %parallel_loop3A_65 = arith.index_cast %parallel_loop3A_64 : i32 to index
        %parallel_loop3A_66 = tpu.vector_load %arg12[%parallel_loop3A_65] {strides = array<i32>} : memref<10016xf32, #tpu.memory_space<vmem>>, vector<16xf32>,
        tpu.vector_store %arg12[%parallel_loop3A_65], %broadcast_in_dim3A_26 {strides = array<i32>} : memref<10016xf32, #tpu.memory_space<vmem>>, vector<16xf32>,
      } {sc.loop_unroll_factor = 8 : i64, sc.parallel_access}
      %broadcast_in_dim3A_30 = arith.constant 0.000000e+00 : f32
      %broadcast_in_dim3A_31 = vector.broadcast %broadcast_in_dim3A_30 : f32 to vector<16xf32>
      %parallel_loop3A_32 = arith.constant 0 : i32
      %parallel_loop3A_33 = arith.constant 626 : i32
      %parallel_loop3A_34 = arith.constant 1 : i32
      scf.for %parallel_loop3A_62 = %parallel_loop3A_32 to %parallel_loop3A_33 step %parallel_loop3A_34  : i32 {
        %parallel_loop3A_63 = arith.constant 16 : i32
        %parallel_loop3A_64 = arith.muli %parallel_loop3A_62, %parallel_loop3A_63 : i32
        %parallel_loop3A_65 = arith.index_cast %parallel_loop3A_64 : i32 to index
        %parallel_loop3A_66 = tpu.vector_load %arg13[%parallel_loop3A_65] {strides = array<i32>} : memref<10016xf32, #tpu.memory_space<vmem>>, vector<16xf32>,
        tpu.vector_store %arg13[%parallel_loop3A_65], %broadcast_in_dim3A_31 {strides = array<i32>} : memref<10016xf32, #tpu.memory_space<vmem>>, vector<16xf32>,
      } {sc.loop_unroll_factor = 8 : i64, sc.parallel_access}
      %dma_start3A_35 = arith.constant 0 : i32
      %dma_start3A_36 = tpu.memref_slice %arg3[%dma_start3A_35] : memref<368640xi32, #tpu.memory_space<hbm>> -> memref<9216xi32, #tpu.memory_space<hbm>>
      %dma_start3A_37 = arith.constant 0 : i32
      %dma_start3A_38 = tpu.memref_slice %arg3[%dma_start3A_37] : memref<368640xi32, #tpu.memory_space<hbm>> -> memref<9216xi32, #tpu.memory_space<hbm>>
      tpu.enqueue_dma source(%dma_start3A_38 : memref<9216xi32, #tpu.memory_space<hbm>>) target(%arg17 : memref<9216xi32, #tpu.memory_space<vmem>>) target_semaphore(%arg22 : memref<!tpu.dma_semaphore, #tpu.memory_space<semaphore_mem>>)
      %dma_start3A_39 = arith.constant 9216 : i32
      %dma_start3A_40 = tpu.memref_slice %arg3[%dma_start3A_39] : memref<368640xi32, #tpu.memory_space<hbm>> -> memref<9216xi32, #tpu.memory_space<hbm>>
      %dma_start3A_41 = arith.constant 9216 : i32
      %dma_start3A_42 = tpu.memref_slice %arg3[%dma_start3A_41] : memref<368640xi32, #tpu.memory_space<hbm>> -> memref<9216xi32, #tpu.memory_space<hbm>>
      tpu.enqueue_dma source(%dma_start3A_42 : memref<9216xi32, #tpu.memory_space<hbm>>) target(%arg18 : memref<9216xi32, #tpu.memory_space<vmem>>) target_semaphore(%arg23 : memref<!tpu.dma_semaphore, #tpu.memory_space<semaphore_mem>>)
      %scan3A_43 = arith.constant 0 : i32
      %scan3A_44 = arith.constant 20 : i32
      %scan3A_45 = arith.addi %scan3A_43, %scan3A_44 : i32
      %scan3A_46 = arith.constant 1 : i32
      scf.for %scan3A_62 = %scan3A_43 to %scan3A_45 step %scan3A_46  : i32 {
        %dma_wait3A_63 = arith.constant 0 : i32
        %dma_wait3A_64 = tpu.memref_slice %arg3[%dma_wait3A_63] : memref<368640xi32, #tpu.memory_space<hbm>> -> memref<9216xi32, #tpu.memory_space<hbm>>
        %dma_wait3A_65 = arith.constant 0 : i32
        %dma_wait3A_66 = tpu.memref_slice %arg3[%dma_wait3A_65] : memref<368640xi32, #tpu.memory_space<hbm>> -> memref<9216xi32, #tpu.memory_space<hbm>>
        tpu.wait_dma2 semaphore(%arg22 : memref<!tpu.dma_semaphore, #tpu.memory_space<semaphore_mem>>) src(%dma_wait3A_66 : memref<9216xi32, #tpu.memory_space<hbm>>) dst(%arg17 : memref<9216xi32, #tpu.memory_space<vmem>>)
        %parallel_loop3A_67 = arith.constant 0 : i32
        %parallel_loop3A_68 = arith.constant 576 : i32
        %parallel_loop3A_69 = arith.constant 1 : i32
        scf.for %parallel_loop3A_92 = %parallel_loop3A_67 to %parallel_loop3A_68 step %parallel_loop3A_69  : i32 {
          %parallel_loop3A_93 = arith.constant 16 : i32
          %parallel_loop3A_94 = arith.muli %parallel_loop3A_92, %parallel_loop3A_93 : i32
          %parallel_loop3A_95 = arith.index_cast %parallel_loop3A_94 : i32 to index
          %parallel_loop3A_96 = tpu.vector_load %arg17[%parallel_loop3A_95] {strides = array<i32>} : memref<9216xi32, #tpu.memory_space<vmem>>, vector<16xi32>,
          %parallel_loop3A_97 = arith.constant 65535 : i32
          %parallel_loop3A_98 = vector.broadcast %parallel_loop3A_97 : i32 to vector<16xi32>
          %parallel_loop3A_99 = arith.andi %parallel_loop3A_96, %parallel_loop3A_98 : vector<16xi32>
          %parallel_loop3A_100 = arith.constant 16 : i32
          %parallel_loop3A_101 = vector.broadcast %parallel_loop3A_100 : i32 to vector<16xi32>
          %parallel_loop3A_102 = arith.shrui %parallel_loop3A_96, %parallel_loop3A_101 : vector<16xi32>
          %parallel_loop3A_103 = tpu.vector_load_idx %arg16[%parallel_loop3A_99] : memref<10016xi32, #tpu.memory_space<vmem>>[vector<16xi32>], vector<16xi32>,
          %parallel_loop3A_104 = vector.bitcast %parallel_loop3A_103 : vector<16xi32> to vector<32xbf16>
          %parallel_loop3A_105 = tpu.unpack_subelements %parallel_loop3A_104, 0 {pack_format = #tpu.pack_format<interleaved>} : vector<32xbf16> -> vector<16xf32>
          %parallel_loop3A_106 = tpu.unpack_subelements %parallel_loop3A_104, 1 {pack_format = #tpu.pack_format<interleaved>} : vector<32xbf16> -> vector<16xf32>
          tpu.vector_store_idx %arg12[%parallel_loop3A_102], %parallel_loop3A_105 {add = true} : memref<10016xf32, #tpu.memory_space<vmem>>[vector<16xi32>], vector<16xf32>,
          tpu.vector_store_idx %arg13[%parallel_loop3A_102], %parallel_loop3A_106 {add = true} : memref<10016xf32, #tpu.memory_space<vmem>>[vector<16xi32>], vector<16xf32>,
        } {sc.loop_unroll_factor = 16 : i64, sc.parallel_access}
        %mul3A_70 = arith.constant 2 : i32
        %mul3A_71 = arith.muli %mul3A_70, %scan3A_62 : i32
        %add3A_72 = arith.constant 2 : i32
        %add3A_73 = arith.addi %mul3A_71, %add3A_72 : i32
        %lt3A = arith.constant 40 : i32
        %lt3A_74 = arith.cmpi slt, %add3A_73, %lt3A : i32
        %convert_element_type3A = arith.extui %lt3A_74 : i1 to i32
        %cond3A = arith.constant 0 : i32
        %cond3A_75 = arith.cmpi ne, %convert_element_type3A, %cond3A : i32
        scf.if %cond3A_75 {
          %mul3A_92 = arith.constant 2 : i32
          %mul3A_93 = arith.muli %mul3A_92, %scan3A_62 : i32
          %add3A_94 = arith.constant 2 : i32
          %add3A_95 = arith.addi %mul3A_93, %add3A_94 : i32
          %mul3A_96 = arith.constant 9216 : i32
          %mul3A_97 = arith.muli %add3A_95, %mul3A_96 : i32
          %dma_start3A_98 = tpu.memref_slice %arg3[%mul3A_97] : memref<368640xi32, #tpu.memory_space<hbm>> -> memref<9216xi32, #tpu.memory_space<hbm>>
          %dma_start3A_99 = tpu.memref_slice %arg3[%mul3A_97] : memref<368640xi32, #tpu.memory_space<hbm>> -> memref<9216xi32, #tpu.memory_space<hbm>>
          tpu.enqueue_dma source(%dma_start3A_99 : memref<9216xi32, #tpu.memory_space<hbm>>) target(%arg17 : memref<9216xi32, #tpu.memory_space<vmem>>) target_semaphore(%arg22 : memref<!tpu.dma_semaphore, #tpu.memory_space<semaphore_mem>>)
        } else {
        }
        %dma_wait3A_76 = arith.constant 0 : i32
        %dma_wait3A_77 = tpu.memref_slice %arg3[%dma_wait3A_76] : memref<368640xi32, #tpu.memory_space<hbm>> -> memref<9216xi32, #tpu.memory_space<hbm>>
        %dma_wait3A_78 = arith.constant 0 : i32
        %dma_wait3A_79 = tpu.memref_slice %arg3[%dma_wait3A_78] : memref<368640xi32, #tpu.memory_space<hbm>> -> memref<9216xi32, #tpu.memory_space<hbm>>
        tpu.wait_dma2 semaphore(%arg23 : memref<!tpu.dma_semaphore, #tpu.memory_space<semaphore_mem>>) src(%dma_wait3A_79 : memref<9216xi32, #tpu.memory_space<hbm>>) dst(%arg18 : memref<9216xi32, #tpu.memory_space<vmem>>)
        %parallel_loop3A_80 = arith.constant 0 : i32
        %parallel_loop3A_81 = arith.constant 576 : i32
        %parallel_loop3A_82 = arith.constant 1 : i32
        scf.for %parallel_loop3A_92 = %parallel_loop3A_80 to %parallel_loop3A_81 step %parallel_loop3A_82  : i32 {
          %parallel_loop3A_93 = arith.constant 16 : i32
          %parallel_loop3A_94 = arith.muli %parallel_loop3A_92, %parallel_loop3A_93 : i32
          %parallel_loop3A_95 = arith.index_cast %parallel_loop3A_94 : i32 to index
          %parallel_loop3A_96 = tpu.vector_load %arg18[%parallel_loop3A_95] {strides = array<i32>} : memref<9216xi32, #tpu.memory_space<vmem>>, vector<16xi32>,
          %parallel_loop3A_97 = arith.constant 65535 : i32
          %parallel_loop3A_98 = vector.broadcast %parallel_loop3A_97 : i32 to vector<16xi32>
          %parallel_loop3A_99 = arith.andi %parallel_loop3A_96, %parallel_loop3A_98 : vector<16xi32>
          %parallel_loop3A_100 = arith.constant 16 : i32
          %parallel_loop3A_101 = vector.broadcast %parallel_loop3A_100 : i32 to vector<16xi32>
          %parallel_loop3A_102 = arith.shrui %parallel_loop3A_96, %parallel_loop3A_101 : vector<16xi32>
          %parallel_loop3A_103 = tpu.vector_load_idx %arg16[%parallel_loop3A_99] : memref<10016xi32, #tpu.memory_space<vmem>>[vector<16xi32>], vector<16xi32>,
          %parallel_loop3A_104 = vector.bitcast %parallel_loop3A_103 : vector<16xi32> to vector<32xbf16>
          %parallel_loop3A_105 = tpu.unpack_subelements %parallel_loop3A_104, 0 {pack_format = #tpu.pack_format<interleaved>} : vector<32xbf16> -> vector<16xf32>
          %parallel_loop3A_106 = tpu.unpack_subelements %parallel_loop3A_104, 1 {pack_format = #tpu.pack_format<interleaved>} : vector<32xbf16> -> vector<16xf32>
          tpu.vector_store_idx %arg12[%parallel_loop3A_102], %parallel_loop3A_105 {add = true} : memref<10016xf32, #tpu.memory_space<vmem>>[vector<16xi32>], vector<16xf32>,
          tpu.vector_store_idx %arg13[%parallel_loop3A_102], %parallel_loop3A_106 {add = true} : memref<10016xf32, #tpu.memory_space<vmem>>[vector<16xi32>], vector<16xf32>,
        } {sc.loop_unroll_factor = 16 : i64, sc.parallel_access}
        %mul3A_83 = arith.constant 2 : i32
        %mul3A_84 = arith.muli %mul3A_83, %scan3A_62 : i32
        %add3A_85 = arith.constant 3 : i32
        %add3A_86 = arith.addi %mul3A_84, %add3A_85 : i32
        %lt3A_87 = arith.constant 40 : i32
        %lt3A_88 = arith.cmpi slt, %add3A_86, %lt3A_87 : i32
        %convert_element_type3A_89 = arith.extui %lt3A_88 : i1 to i32
        %cond3A_90 = arith.constant 0 : i32
        %cond3A_91 = arith.cmpi ne, %convert_element_type3A_89, %cond3A_90 : i32
        scf.if %cond3A_91 {
          %mul3A_92 = arith.constant 2 : i32
          %mul3A_93 = arith.muli %mul3A_92, %scan3A_62 : i32
          %add3A_94 = arith.constant 3 : i32
          %add3A_95 = arith.addi %mul3A_93, %add3A_94 : i32
          %mul3A_96 = arith.constant 9216 : i32
          %mul3A_97 = arith.muli %add3A_95, %mul3A_96 : i32
          %dma_start3A_98 = tpu.memref_slice %arg3[%mul3A_97] : memref<368640xi32, #tpu.memory_space<hbm>> -> memref<9216xi32, #tpu.memory_space<hbm>>
          %dma_start3A_99 = tpu.memref_slice %arg3[%mul3A_97] : memref<368640xi32, #tpu.memory_space<hbm>> -> memref<9216xi32, #tpu.memory_space<hbm>>
          tpu.enqueue_dma source(%dma_start3A_99 : memref<9216xi32, #tpu.memory_space<hbm>>) target(%arg18 : memref<9216xi32, #tpu.memory_space<vmem>>) target_semaphore(%arg23 : memref<!tpu.dma_semaphore, #tpu.memory_space<semaphore_mem>>)
        } else {
        }
      }
      %scan3A_47 = arith.constant 20 : i32
      %scan3A_48 = arith.constant 0 : i32
      %scan3A_49 = arith.constant 32 : i32
      %scan3A_50 = arith.addi %scan3A_48, %scan3A_49 : i32
      %scan3A_51 = arith.constant 1 : i32
      scf.for %scan3A_62 = %scan3A_48 to %scan3A_50 step %scan3A_51  : i32 {
        %mul3A_63 = arith.constant 16 : i32
        %mul3A_64 = arith.muli %scan3A_62, %mul3A_63 : i32
        %get3A_65 = arith.index_cast %mul3A_64 : i32 to index
        %get3A_66 = tpu.vector_load %arg20[%get3A_65] {strides = array<i32>} : memref<512xi32, #tpu.memory_space<vmem>>, vector<16xi32>,
        %reduce_max3A = arith.constant true
        %reduce_max3A_67 = vector.broadcast %reduce_max3A : i1 to vector<16xi1>
        %reduce_max3A_68 = arith.constant -2147483648 : i32
        %reduce_max3A_69 = vector.broadcast %reduce_max3A_68 : i32 to vector<16xi32>
        %reduce_max3A_70 = arith.xori %get3A_66, %reduce_max3A_69 : vector<16xi32>
        %reduce_max3A_71 = tpu.scan <max>, %reduce_max3A_70 masked %reduce_max3A_67 : vector<16xi32>, vector<16xi1> -> vector<16xi32>
        %reduce_max3A_72 = arith.xori %reduce_max3A_71, %reduce_max3A_69 : vector<16xi32>
        %reduce_max3A_73 = vector.extract %reduce_max3A_72[15] : i32 from vector<16xi32>
        %gt3A = arith.constant 0 : i32
        %gt3A_74 = arith.cmpi sgt, %reduce_max3A_73, %gt3A : i32
        %convert_element_type3A = arith.extui %gt3A_74 : i1 to i32
        %cond3A = arith.constant 0 : i32
        %cond3A_75 = arith.cmpi ne, %convert_element_type3A, %cond3A : i32
        scf.if %cond3A_75 {
          %while3A = arith.constant 0 : i32
          %while3A_76 = arith.subi %reduce_max3A_73, %while3A : i32
          %while3A_77 = arith.addi %while3A, %while3A_76 : i32
          %while3A_78 = arith.constant 1 : i32
          %while3A_79 = arith.divsi %while3A_76, %while3A_78 : i32
          %while3A_80 = arith.muli %while3A_79, %while3A_78 : i32
          %while3A_81 = arith.addi %while3A, %while3A_80 : i32
          %while3A_82 = arith.constant 1 : i32
          scf.for %while3A_84 = %while3A to %while3A_81 step %while3A_82  : i32 {
            %mul3A_85 = arith.constant 10016 : i32
            %mul3A_86 = arith.muli %scan3A_62, %mul3A_85 : i32
            %mul3A_87 = arith.constant 16 : i32
            %mul3A_88 = arith.muli %while3A_84, %mul3A_87 : i32
            %add3A_89 = arith.addi %mul3A_86, %mul3A_88 : i32
            "tpu.region"() ({
              %run_scoped3A = tpu.sem_alloc : memref<!tpu.dma_semaphore, #tpu.memory_space<semaphore_mem>>
              %dma_start3A_97 = tpu.memref_slice %arg4[%add3A_89] : memref<320512xi32, #tpu.memory_space<hbm>> -> memref<16xi32, #tpu.memory_space<hbm>>
              %dma_start3A_98 = tpu.memref_slice %arg4[%add3A_89] : memref<320512xi32, #tpu.memory_space<hbm>> -> memref<16xi32, #tpu.memory_space<hbm>>
              tpu.enqueue_dma source(%dma_start3A_98 : memref<16xi32, #tpu.memory_space<hbm>>) target(%arg21 : memref<16xi32, #tpu.memory_space<vmem>>) target_semaphore(%run_scoped3A : memref<!tpu.dma_semaphore, #tpu.memory_space<semaphore_mem>>)
              %dma_wait3A_99 = tpu.memref_slice %arg4[%add3A_89] : memref<320512xi32, #tpu.memory_space<hbm>> -> memref<16xi32, #tpu.memory_space<hbm>>
              %dma_wait3A_100 = tpu.memref_slice %arg4[%add3A_89] : memref<320512xi32, #tpu.memory_space<hbm>> -> memref<16xi32, #tpu.memory_space<hbm>>
              tpu.wait_dma2 semaphore(%run_scoped3A : memref<!tpu.dma_semaphore, #tpu.memory_space<semaphore_mem>>) src(%dma_wait3A_100 : memref<16xi32, #tpu.memory_space<hbm>>) dst(%arg21 : memref<16xi32, #tpu.memory_space<vmem>>)
              tpu.yield
            }) : () -> ()
            %get3A_90 = arith.constant 0 : index
            %get3A_91 = tpu.vector_load %arg21[%get3A_90] {strides = array<i32>} : memref<16xi32, #tpu.memory_space<vmem>>, vector<16xi32>,
            %and3A = arith.constant 65535 : i32
            %and3A_92 = vector.broadcast %and3A : i32 to vector<16xi32>
            %and3A_93 = arith.andi %get3A_91, %and3A_92 : vector<16xi32>
            %shift_right_logical3A = arith.constant 16 : i32
            %shift_right_logical3A_94 = vector.broadcast %shift_right_logical3A : i32 to vector<16xi32>
            %shift_right_logical3A_95 = arith.shrui %get3A_91, %shift_right_logical3A_94 : vector<16xi32>
            %gather3A = tpu.vector_load_idx %arg16[%and3A_93] : memref<10016xi32, #tpu.memory_space<vmem>>[vector<16xi32>], vector<16xi32>,
            %bitcast3A = vector.bitcast %gather3A : vector<16xi32> to vector<32xbf16>
            %unpack3A = tpu.unpack_subelements %bitcast3A, 0 {pack_format = #tpu.pack_format<interleaved>} : vector<32xbf16> -> vector<16xf32>
            %unpack3A_96 = tpu.unpack_subelements %bitcast3A, 1 {pack_format = #tpu.pack_format<interleaved>} : vector<32xbf16> -> vector<16xf32>
            tpu.vector_store_idx %arg12[%shift_right_logical3A_95], %unpack3A {add = true} : memref<10016xf32, #tpu.memory_space<vmem>>[vector<16xi32>], vector<16xf32>,
            tpu.vector_store_idx %arg13[%shift_right_logical3A_95], %unpack3A_96 {add = true} : memref<10016xf32, #tpu.memory_space<vmem>>[vector<16xi32>], vector<16xf32>,
          }
          %while3A_83 = arith.constant 1 : i32
          scf.for %while3A_84 = %while3A_81 to %while3A_77 step %while3A_83  : i32 {
            %mul3A_85 = arith.constant 10016 : i32
            %mul3A_86 = arith.muli %scan3A_62, %mul3A_85 : i32
            %mul3A_87 = arith.constant 16 : i32
            %mul3A_88 = arith.muli %while3A_84, %mul3A_87 : i32
            %add3A_89 = arith.addi %mul3A_86, %mul3A_88 : i32
            "tpu.region"() ({
              %run_scoped3A = tpu.sem_alloc : memref<!tpu.dma_semaphore, #tpu.memory_space<semaphore_mem>>
              %dma_start3A_97 = tpu.memref_slice %arg4[%add3A_89] : memref<320512xi32, #tpu.memory_space<hbm>> -> memref<16xi32, #tpu.memory_space<hbm>>
              %dma_start3A_98 = tpu.memref_slice %arg4[%add3A_89] : memref<320512xi32, #tpu.memory_space<hbm>> -> memref<16xi32, #tpu.memory_space<hbm>>
              tpu.enqueue_dma source(%dma_start3A_98 : memref<16xi32, #tpu.memory_space<hbm>>) target(%arg21 : memref<16xi32, #tpu.memory_space<vmem>>) target_semaphore(%run_scoped3A : memref<!tpu.dma_semaphore, #tpu.memory_space<semaphore_mem>>)
              %dma_wait3A_99 = tpu.memref_slice %arg4[%add3A_89] : memref<320512xi32, #tpu.memory_space<hbm>> -> memref<16xi32, #tpu.memory_space<hbm>>
              %dma_wait3A_100 = tpu.memref_slice %arg4[%add3A_89] : memref<320512xi32, #tpu.memory_space<hbm>> -> memref<16xi32, #tpu.memory_space<hbm>>
              tpu.wait_dma2 semaphore(%run_scoped3A : memref<!tpu.dma_semaphore, #tpu.memory_space<semaphore_mem>>) src(%dma_wait3A_100 : memref<16xi32, #tpu.memory_space<hbm>>) dst(%arg21 : memref<16xi32, #tpu.memory_space<vmem>>)
              tpu.yield
            }) : () -> ()
            %get3A_90 = arith.constant 0 : index
            %get3A_91 = tpu.vector_load %arg21[%get3A_90] {strides = array<i32>} : memref<16xi32, #tpu.memory_space<vmem>>, vector<16xi32>,
            %and3A = arith.constant 65535 : i32
            %and3A_92 = vector.broadcast %and3A : i32 to vector<16xi32>
            %and3A_93 = arith.andi %get3A_91, %and3A_92 : vector<16xi32>
            %shift_right_logical3A = arith.constant 16 : i32
            %shift_right_logical3A_94 = vector.broadcast %shift_right_logical3A : i32 to vector<16xi32>
            %shift_right_logical3A_95 = arith.shrui %get3A_91, %shift_right_logical3A_94 : vector<16xi32>
            %gather3A = tpu.vector_load_idx %arg16[%and3A_93] : memref<10016xi32, #tpu.memory_space<vmem>>[vector<16xi32>], vector<16xi32>,
            %bitcast3A = vector.bitcast %gather3A : vector<16xi32> to vector<32xbf16>
            %unpack3A = tpu.unpack_subelements %bitcast3A, 0 {pack_format = #tpu.pack_format<interleaved>} : vector<32xbf16> -> vector<16xf32>
            %unpack3A_96 = tpu.unpack_subelements %bitcast3A, 1 {pack_format = #tpu.pack_format<interleaved>} : vector<32xbf16> -> vector<16xf32>
            tpu.vector_store_idx %arg12[%shift_right_logical3A_95], %unpack3A {add = true} : memref<10016xf32, #tpu.memory_space<vmem>>[vector<16xi32>], vector<16xf32>,
            tpu.vector_store_idx %arg13[%shift_right_logical3A_95], %unpack3A_96 {add = true} : memref<10016xf32, #tpu.memory_space<vmem>>[vector<16xi32>], vector<16xf32>,
          }
        } else {
        }
      }
      %scan3A_52 = arith.constant 32 : i32
      %dma_wait3A = tpu.memref_slice %arg6[%mul3A_19] : memref<40000xf32, #tpu.memory_space<hbm>> -> memref<10000xf32, #tpu.memory_space<hbm>>
      %dma_wait3A_53 = tpu.memref_slice %arg6[%mul3A_19] : memref<40000xf32, #tpu.memory_space<hbm>> -> memref<10000xf32, #tpu.memory_space<hbm>>
      tpu.wait_dma2 semaphore(%arg24 : memref<!tpu.dma_semaphore, #tpu.memory_space<semaphore_mem>>) src(%dma_wait3A_53 : memref<10000xf32, #tpu.memory_space<hbm>>) dst(%arg14 : memref<10000xf32, #tpu.memory_space<vmem>>)
      %dma_wait3A_54 = tpu.memref_slice %arg7[%mul3A_21] : memref<40000xf32, #tpu.memory_space<hbm>> -> memref<10000xf32, #tpu.memory_space<hbm>>
      %dma_wait3A_55 = tpu.memref_slice %arg7[%mul3A_21] : memref<40000xf32, #tpu.memory_space<hbm>> -> memref<10000xf32, #tpu.memory_space<hbm>>
      tpu.wait_dma2 semaphore(%arg25 : memref<!tpu.dma_semaphore, #tpu.memory_space<semaphore_mem>>) src(%dma_wait3A_55 : memref<10000xf32, #tpu.memory_space<hbm>>) dst(%arg15 : memref<10000xf32, #tpu.memory_space<vmem>>)
      %mul3A_56 = arith.constant 128 : i32
      %mul3A_57 = arith.muli %scan3A_17, %mul3A_56 : i32
      %get3A = arith.index_cast %mul3A_57 : i32 to index
      %get3A_58 = tpu.vector_load %arg19[%get3A] {strides = array<i32>} : memref<512xf32, #tpu.memory_space<vmem>>, vector<16xf32>,
      %parallel_loop3A_59 = arith.constant 0 : i32
      %parallel_loop3A_60 = arith.constant 625 : i32
      %parallel_loop3A_61 = arith.constant 1 : i32
      scf.for %parallel_loop3A_62 = %parallel_loop3A_59 to %parallel_loop3A_60 step %parallel_loop3A_61  : i32 {
        %parallel_loop3A_63 = arith.constant 16 : i32
        %parallel_loop3A_64 = arith.muli %parallel_loop3A_62, %parallel_loop3A_63 : i32
        %parallel_loop3A_65 = arith.index_cast %parallel_loop3A_64 : i32 to index
        %parallel_loop3A_66 = tpu.vector_load %arg14[%parallel_loop3A_65] {strides = array<i32>} : memref<10000xf32, #tpu.memory_space<vmem>>, vector<16xf32>,
        %parallel_loop3A_67 = arith.index_cast %parallel_loop3A_64 : i32 to index
        %parallel_loop3A_68 = tpu.vector_load %arg15[%parallel_loop3A_67] {strides = array<i32>} : memref<10000xf32, #tpu.memory_space<vmem>>, vector<16xf32>,
        %parallel_loop3A_69 = arith.index_cast %parallel_loop3A_64 : i32 to index
        %parallel_loop3A_70 = tpu.vector_load %arg10[%parallel_loop3A_69] {strides = array<i32>} : memref<10016xf32, #tpu.memory_space<vmem>>, vector<16xf32>,
        %parallel_loop3A_71 = arith.mulf %parallel_loop3A_66, %parallel_loop3A_70 : vector<16xf32>
        %parallel_loop3A_72 = arith.index_cast %parallel_loop3A_64 : i32 to index
        %parallel_loop3A_73 = tpu.vector_load %arg12[%parallel_loop3A_72] {strides = array<i32>} : memref<10016xf32, #tpu.memory_space<vmem>>, vector<16xf32>,
        %parallel_loop3A_74 = arith.mulf %parallel_loop3A_68, %parallel_loop3A_73 : vector<16xf32>
        %parallel_loop3A_75 = arith.addf %parallel_loop3A_71, %parallel_loop3A_74 : vector<16xf32>
        %parallel_loop3A_76 = arith.addf %parallel_loop3A_75, %get3A_58 : vector<16xf32>
        %parallel_loop3A_77 = arith.index_cast %parallel_loop3A_64 : i32 to index
        %parallel_loop3A_78 = tpu.vector_load %arg11[%parallel_loop3A_77] {strides = array<i32>} : memref<10016xf32, #tpu.memory_space<vmem>>, vector<16xf32>,
        %parallel_loop3A_79 = arith.mulf %parallel_loop3A_66, %parallel_loop3A_78 : vector<16xf32>
        %parallel_loop3A_80 = arith.index_cast %parallel_loop3A_64 : i32 to index
        %parallel_loop3A_81 = tpu.vector_load %arg13[%parallel_loop3A_80] {strides = array<i32>} : memref<10016xf32, #tpu.memory_space<vmem>>, vector<16xf32>,
        %parallel_loop3A_82 = arith.mulf %parallel_loop3A_68, %parallel_loop3A_81 : vector<16xf32>
        %parallel_loop3A_83 = arith.addf %parallel_loop3A_79, %parallel_loop3A_82 : vector<16xf32>
        %parallel_loop3A_84 = arith.addf %parallel_loop3A_83, %get3A_58 : vector<16xf32>
        %parallel_loop3A_85 = arith.index_cast %parallel_loop3A_64 : i32 to index
        %parallel_loop3A_86 = tpu.vector_load %arg10[%parallel_loop3A_85] {strides = array<i32>} : memref<10016xf32, #tpu.memory_space<vmem>>, vector<16xf32>,
        tpu.vector_store %arg10[%parallel_loop3A_85], %parallel_loop3A_76 {strides = array<i32>} : memref<10016xf32, #tpu.memory_space<vmem>>, vector<16xf32>,
        %parallel_loop3A_87 = arith.index_cast %parallel_loop3A_64 : i32 to index
        %parallel_loop3A_88 = tpu.vector_load %arg11[%parallel_loop3A_87] {strides = array<i32>} : memref<10016xf32, #tpu.memory_space<vmem>>, vector<16xf32>,
        tpu.vector_store %arg11[%parallel_loop3A_87], %parallel_loop3A_84 {strides = array<i32>} : memref<10016xf32, #tpu.memory_space<vmem>>, vector<16xf32>,
        %parallel_loop3A_89 = tpu.pack_subelements %parallel_loop3A_76, %parallel_loop3A_84 {pack_format = #tpu.pack_format<interleaved>, positions = array<i32: 0, 1>} : vector<16xf32>, vector<16xf32> -> vector<32xbf16>
        %parallel_loop3A_90 = vector.bitcast %parallel_loop3A_89 : vector<32xbf16> to vector<16xi32>
        %parallel_loop3A_91 = arith.index_cast %parallel_loop3A_64 : i32 to index
        %parallel_loop3A_92 = tpu.vector_load %arg16[%parallel_loop3A_91] {strides = array<i32>} : memref<10016xi32, #tpu.memory_space<vmem>>, vector<16xi32>,
        tpu.vector_store %arg16[%parallel_loop3A_91], %parallel_loop3A_90 {strides = array<i32>} : memref<10016xi32, #tpu.memory_space<vmem>>, vector<16xi32>,
      } {sc.loop_unroll_factor = 8 : i64, sc.parallel_access}
    }
    %scan3A_16 = arith.constant 4 : i32
    "tpu.region"() ({
      %run_scoped3A = tpu.sem_alloc : memref<!tpu.dma_semaphore, #tpu.memory_space<semaphore_mem>>
      %dma_start3A = arith.constant 0 : i32
      %dma_start3A_17 = tpu.memref_slice %arg10[%dma_start3A] : memref<10016xf32, #tpu.memory_space<vmem>> -> memref<10000xf32, #tpu.memory_space<vmem>>
      %dma_start3A_18 = tpu.memref_slice %arg9[%mul3A_4] : memref<640000xf32, #tpu.memory_space<hbm>> -> memref<10000xf32, #tpu.memory_space<hbm>>
      %dma_start3A_19 = tpu.memref_slice %arg9[%mul3A_4] : memref<640000xf32, #tpu.memory_space<hbm>> -> memref<10000xf32, #tpu.memory_space<hbm>>
      %dma_start3A_20 = arith.constant 0 : i32
      %dma_start3A_21 = tpu.memref_slice %arg10[%dma_start3A_20] : memref<10016xf32, #tpu.memory_space<vmem>> -> memref<10000xf32, #tpu.memory_space<vmem>>
      tpu.enqueue_dma source(%dma_start3A_21 : memref<10000xf32, #tpu.memory_space<vmem>>) target(%dma_start3A_19 : memref<10000xf32, #tpu.memory_space<hbm>>) target_semaphore(%run_scoped3A : memref<!tpu.dma_semaphore, #tpu.memory_space<semaphore_mem>>)
      %dma_wait3A = arith.constant 0 : i32
      %dma_wait3A_22 = tpu.memref_slice %arg10[%dma_wait3A] : memref<10016xf32, #tpu.memory_space<vmem>> -> memref<10000xf32, #tpu.memory_space<vmem>>
      %dma_wait3A_23 = tpu.memref_slice %arg9[%mul3A_4] : memref<640000xf32, #tpu.memory_space<hbm>> -> memref<10000xf32, #tpu.memory_space<hbm>>
      %dma_wait3A_24 = tpu.memref_slice %arg9[%mul3A_4] : memref<640000xf32, #tpu.memory_space<hbm>> -> memref<10000xf32, #tpu.memory_space<hbm>>
      %dma_wait3A_25 = arith.constant 0 : i32
      %dma_wait3A_26 = tpu.memref_slice %arg10[%dma_wait3A_25] : memref<10016xf32, #tpu.memory_space<vmem>> -> memref<10000xf32, #tpu.memory_space<vmem>>
      tpu.wait_dma2 semaphore(%run_scoped3A : memref<!tpu.dma_semaphore, #tpu.memory_space<semaphore_mem>>) src(%dma_wait3A_26 : memref<10000xf32, #tpu.memory_space<vmem>>) dst(%dma_wait3A_24 : memref<10000xf32, #tpu.memory_space<hbm>>)
      tpu.yield
    }) : () -> ()
    "tpu.region"() ({
      %run_scoped3A = tpu.sem_alloc : memref<!tpu.dma_semaphore, #tpu.memory_space<semaphore_mem>>
      %dma_start3A = arith.constant 0 : i32
      %dma_start3A_17 = tpu.memref_slice %arg11[%dma_start3A] : memref<10016xf32, #tpu.memory_space<vmem>> -> memref<10000xf32, #tpu.memory_space<vmem>>
      %dma_start3A_18 = tpu.memref_slice %arg9[%add3A_6] : memref<640000xf32, #tpu.memory_space<hbm>> -> memref<10000xf32, #tpu.memory_space<hbm>>
      %dma_start3A_19 = tpu.memref_slice %arg9[%add3A_6] : memref<640000xf32, #tpu.memory_space<hbm>> -> memref<10000xf32, #tpu.memory_space<hbm>>
      %dma_start3A_20 = arith.constant 0 : i32
      %dma_start3A_21 = tpu.memref_slice %arg11[%dma_start3A_20] : memref<10016xf32, #tpu.memory_space<vmem>> -> memref<10000xf32, #tpu.memory_space<vmem>>
      tpu.enqueue_dma source(%dma_start3A_21 : memref<10000xf32, #tpu.memory_space<vmem>>) target(%dma_start3A_19 : memref<10000xf32, #tpu.memory_space<hbm>>) target_semaphore(%run_scoped3A : memref<!tpu.dma_semaphore, #tpu.memory_space<semaphore_mem>>)
      %dma_wait3A = arith.constant 0 : i32
      %dma_wait3A_22 = tpu.memref_slice %arg11[%dma_wait3A] : memref<10016xf32, #tpu.memory_space<vmem>> -> memref<10000xf32, #tpu.memory_space<vmem>>
      %dma_wait3A_23 = tpu.memref_slice %arg9[%add3A_6] : memref<640000xf32, #tpu.memory_space<hbm>> -> memref<10000xf32, #tpu.memory_space<hbm>>
      %dma_wait3A_24 = tpu.memref_slice %arg9[%add3A_6] : memref<640000xf32, #tpu.memory_space<hbm>> -> memref<10000xf32, #tpu.memory_space<hbm>>
      %dma_wait3A_25 = arith.constant 0 : i32
      %dma_wait3A_26 = tpu.memref_slice %arg11[%dma_wait3A_25] : memref<10016xf32, #tpu.memory_space<vmem>> -> memref<10000xf32, #tpu.memory_space<vmem>>
      tpu.wait_dma2 semaphore(%run_scoped3A : memref<!tpu.dma_semaphore, #tpu.memory_space<semaphore_mem>>) src(%dma_wait3A_26 : memref<10000xf32, #tpu.memory_space<vmem>>) dst(%dma_wait3A_24 : memref<10000xf32, #tpu.memory_space<hbm>>)
      tpu.yield
    }) : () -> ()
    return
  }
}

module attributes {stable_mosaic.version = 14 : i64} {
  func.func @_coeff_body(%arg0: memref<4xf32, #tpu.memory_space<smem>>, %arg1: memref<4xf32, #tpu.memory_space<smem>>, %arg2: memref<4xf32, #tpu.memory_space<smem>>, %arg3: memref<32x10000xf32, #tpu.memory_space<vmem>>, %arg4: memref<4x10000xf32, #tpu.memory_space<vmem>>, %arg5: memref<4x10000xf32, #tpu.memory_space<vmem>>, %arg6: memref<4x128xf32, #tpu.memory_space<vmem>>) attributes {dimension_semantics = [], scalar_prefetch = 0 : i64, scratch_operands = 0 : i64, tpu.core_type = #tpu.core_type<tc>} {
    %get3A = arith.constant 0 : index
    %get3A_0 = arith.constant 0 : index
    %get3A_1 = vector.load %arg3[%get3A, %get3A_0] : memref<32x10000xf32, #tpu.memory_space<vmem>>, vector<32x10000xf32>
    %reduce_sum3A = arith.constant dense<0.000000e+00> : vector<10000xf32>
    %reduce_sum3A_2 = vector.multi_reduction <add>, %get3A_1, %reduce_sum3A [0] : vector<32x10000xf32> to vector<10000xf32>
    %broadcast_in_dim3A = vector.shape_cast %reduce_sum3A_2 : vector<10000xf32> to vector<1x10000xf32>
    %log3A = math.log %broadcast_in_dim3A : vector<1x10000xf32>
    %get3A_3 = arith.constant 0 : index
    %get3A_4 = memref.load %arg0[%get3A_3] : memref<4xf32, #tpu.memory_space<smem>>
    %get3A_5 = arith.constant 0 : index
    %get3A_6 = memref.load %arg1[%get3A_5] : memref<4xf32, #tpu.memory_space<smem>>
    %logistic3A = arith.negf %get3A_6 : f32
    %logistic3A_7 = math.exp %logistic3A : f32
    %logistic3A_8 = arith.constant 1.000000e+00 : f32
    %logistic3A_9 = arith.addf %logistic3A_8, %logistic3A_7 : f32
    %logistic3A_10 = arith.divf %logistic3A_8, %logistic3A_9 : f32
    %exp3A = math.exp %get3A_4 : f32
    %tanh3A = math.tanh %get3A_4 : f32
    %mul3A = arith.mulf %exp3A, %tanh3A : f32
    %mul3A_11 = vector.broadcast %logistic3A_10 : f32 to vector<1x10000xf32>
    %mul3A_12 = arith.mulf %mul3A_11, %log3A : vector<1x10000xf32>
    %exp3A_13 = math.exp %mul3A_12 : vector<1x10000xf32>
    %mul3A_14 = vector.broadcast %exp3A : f32 to vector<1x10000xf32>
    %mul3A_15 = arith.mulf %mul3A_14, %exp3A_13 : vector<1x10000xf32>
    %swap3A = arith.constant 0 : index
    %swap3A_16 = arith.constant 0 : index
    %swap3A_17 = vector.load %arg4[%swap3A, %swap3A_16] : memref<4x10000xf32, #tpu.memory_space<vmem>>, vector<1x10000xf32>
    tpu.vector_store %arg4[%swap3A, %swap3A_16], %mul3A_15 {strides = array<i32>} : memref<4x10000xf32, #tpu.memory_space<vmem>>, vector<1x10000xf32>,
    %sub3A = arith.constant 1.000000e+00 : f32
    %sub3A_18 = arith.subf %logistic3A_10, %sub3A : f32
    %mul3A_19 = vector.broadcast %sub3A_18 : f32 to vector<1x10000xf32>
    %mul3A_20 = arith.mulf %mul3A_19, %log3A : vector<1x10000xf32>
    %exp3A_21 = math.exp %mul3A_20 : vector<1x10000xf32>
    %mul3A_22 = vector.broadcast %mul3A : f32 to vector<1x10000xf32>
    %mul3A_23 = arith.mulf %mul3A_22, %exp3A_21 : vector<1x10000xf32>
    %swap3A_24 = arith.constant 0 : index
    %swap3A_25 = arith.constant 0 : index
    %swap3A_26 = vector.load %arg5[%swap3A_24, %swap3A_25] : memref<4x10000xf32, #tpu.memory_space<vmem>>, vector<1x10000xf32>
    tpu.vector_store %arg5[%swap3A_24, %swap3A_25], %mul3A_23 {strides = array<i32>} : memref<4x10000xf32, #tpu.memory_space<vmem>>, vector<1x10000xf32>,
    %get3A_27 = arith.constant 0 : index
    %get3A_28 = memref.load %arg2[%get3A_27] : memref<4xf32, #tpu.memory_space<smem>>
    %broadcast_in_dim3A_29 = vector.broadcast %get3A_28 : f32 to vector<1x128xf32>
    %swap3A_30 = arith.constant 0 : index
    %swap3A_31 = arith.constant 0 : index
    %swap3A_32 = vector.load %arg6[%swap3A_30, %swap3A_31] : memref<4x128xf32, #tpu.memory_space<vmem>>, vector<1x128xf32>
    tpu.vector_store %arg6[%swap3A_30, %swap3A_31], %broadcast_in_dim3A_29 {strides = array<i32>} : memref<4x128xf32, #tpu.memory_space<vmem>>, vector<1x128xf32>,
    %get3A_33 = arith.constant 1 : index
    %get3A_34 = memref.load %arg0[%get3A_33] : memref<4xf32, #tpu.memory_space<smem>>
    %get3A_35 = arith.constant 1 : index
    %get3A_36 = memref.load %arg1[%get3A_35] : memref<4xf32, #tpu.memory_space<smem>>
    %logistic3A_37 = arith.negf %get3A_36 : f32
    %logistic3A_38 = math.exp %logistic3A_37 : f32
    %logistic3A_39 = arith.constant 1.000000e+00 : f32
    %logistic3A_40 = arith.addf %logistic3A_39, %logistic3A_38 : f32
    %logistic3A_41 = arith.divf %logistic3A_39, %logistic3A_40 : f32
    %exp3A_42 = math.exp %get3A_34 : f32
    %tanh3A_43 = math.tanh %get3A_34 : f32
    %mul3A_44 = arith.mulf %exp3A_42, %tanh3A_43 : f32
    %mul3A_45 = vector.broadcast %logistic3A_41 : f32 to vector<1x10000xf32>
    %mul3A_46 = arith.mulf %mul3A_45, %log3A : vector<1x10000xf32>
    %exp3A_47 = math.exp %mul3A_46 : vector<1x10000xf32>
    %mul3A_48 = vector.broadcast %exp3A_42 : f32 to vector<1x10000xf32>
    %mul3A_49 = arith.mulf %mul3A_48, %exp3A_47 : vector<1x10000xf32>
    %swap3A_50 = arith.constant 1 : index
    %swap3A_51 = arith.constant 0 : index
    %swap3A_52 = vector.load %arg4[%swap3A_50, %swap3A_51] : memref<4x10000xf32, #tpu.memory_space<vmem>>, vector<1x10000xf32>
    tpu.vector_store %arg4[%swap3A_50, %swap3A_51], %mul3A_49 {strides = array<i32>} : memref<4x10000xf32, #tpu.memory_space<vmem>>, vector<1x10000xf32>,
    %sub3A_53 = arith.constant 1.000000e+00 : f32
    %sub3A_54 = arith.subf %logistic3A_41, %sub3A_53 : f32
    %mul3A_55 = vector.broadcast %sub3A_54 : f32 to vector<1x10000xf32>
    %mul3A_56 = arith.mulf %mul3A_55, %log3A : vector<1x10000xf32>
    %exp3A_57 = math.exp %mul3A_56 : vector<1x10000xf32>
    %mul3A_58 = vector.broadcast %mul3A_44 : f32 to vector<1x10000xf32>
    %mul3A_59 = arith.mulf %mul3A_58, %exp3A_57 : vector<1x10000xf32>
    %swap3A_60 = arith.constant 1 : index
    %swap3A_61 = arith.constant 0 : index
    %swap3A_62 = vector.load %arg5[%swap3A_60, %swap3A_61] : memref<4x10000xf32, #tpu.memory_space<vmem>>, vector<1x10000xf32>
    tpu.vector_store %arg5[%swap3A_60, %swap3A_61], %mul3A_59 {strides = array<i32>} : memref<4x10000xf32, #tpu.memory_space<vmem>>, vector<1x10000xf32>,
    %get3A_63 = arith.constant 1 : index
    %get3A_64 = memref.load %arg2[%get3A_63] : memref<4xf32, #tpu.memory_space<smem>>
    %broadcast_in_dim3A_65 = vector.broadcast %get3A_64 : f32 to vector<1x128xf32>
    %swap3A_66 = arith.constant 1 : index
    %swap3A_67 = arith.constant 0 : index
    %swap3A_68 = vector.load %arg6[%swap3A_66, %swap3A_67] : memref<4x128xf32, #tpu.memory_space<vmem>>, vector<1x128xf32>
    tpu.vector_store %arg6[%swap3A_66, %swap3A_67], %broadcast_in_dim3A_65 {strides = array<i32>} : memref<4x128xf32, #tpu.memory_space<vmem>>, vector<1x128xf32>,
    %get3A_69 = arith.constant 2 : index
    %get3A_70 = memref.load %arg0[%get3A_69] : memref<4xf32, #tpu.memory_space<smem>>
    %get3A_71 = arith.constant 2 : index
    %get3A_72 = memref.load %arg1[%get3A_71] : memref<4xf32, #tpu.memory_space<smem>>
    %logistic3A_73 = arith.negf %get3A_72 : f32
    %logistic3A_74 = math.exp %logistic3A_73 : f32
    %logistic3A_75 = arith.constant 1.000000e+00 : f32
    %logistic3A_76 = arith.addf %logistic3A_75, %logistic3A_74 : f32
    %logistic3A_77 = arith.divf %logistic3A_75, %logistic3A_76 : f32
    %exp3A_78 = math.exp %get3A_70 : f32
    %tanh3A_79 = math.tanh %get3A_70 : f32
    %mul3A_80 = arith.mulf %exp3A_78, %tanh3A_79 : f32
    %mul3A_81 = vector.broadcast %logistic3A_77 : f32 to vector<1x10000xf32>
    %mul3A_82 = arith.mulf %mul3A_81, %log3A : vector<1x10000xf32>
    %exp3A_83 = math.exp %mul3A_82 : vector<1x10000xf32>
    %mul3A_84 = vector.broadcast %exp3A_78 : f32 to vector<1x10000xf32>
    %mul3A_85 = arith.mulf %mul3A_84, %exp3A_83 : vector<1x10000xf32>
    %swap3A_86 = arith.constant 2 : index
    %swap3A_87 = arith.constant 0 : index
    %swap3A_88 = vector.load %arg4[%swap3A_86, %swap3A_87] : memref<4x10000xf32, #tpu.memory_space<vmem>>, vector<1x10000xf32>
    tpu.vector_store %arg4[%swap3A_86, %swap3A_87], %mul3A_85 {strides = array<i32>} : memref<4x10000xf32, #tpu.memory_space<vmem>>, vector<1x10000xf32>,
    %sub3A_89 = arith.constant 1.000000e+00 : f32
    %sub3A_90 = arith.subf %logistic3A_77, %sub3A_89 : f32
    %mul3A_91 = vector.broadcast %sub3A_90 : f32 to vector<1x10000xf32>
    %mul3A_92 = arith.mulf %mul3A_91, %log3A : vector<1x10000xf32>
    %exp3A_93 = math.exp %mul3A_92 : vector<1x10000xf32>
    %mul3A_94 = vector.broadcast %mul3A_80 : f32 to vector<1x10000xf32>
    %mul3A_95 = arith.mulf %mul3A_94, %exp3A_93 : vector<1x10000xf32>
    %swap3A_96 = arith.constant 2 : index
    %swap3A_97 = arith.constant 0 : index
    %swap3A_98 = vector.load %arg5[%swap3A_96, %swap3A_97] : memref<4x10000xf32, #tpu.memory_space<vmem>>, vector<1x10000xf32>
    tpu.vector_store %arg5[%swap3A_96, %swap3A_97], %mul3A_95 {strides = array<i32>} : memref<4x10000xf32, #tpu.memory_space<vmem>>, vector<1x10000xf32>,
    %get3A_99 = arith.constant 2 : index
    %get3A_100 = memref.load %arg2[%get3A_99] : memref<4xf32, #tpu.memory_space<smem>>
    %broadcast_in_dim3A_101 = vector.broadcast %get3A_100 : f32 to vector<1x128xf32>
    %swap3A_102 = arith.constant 2 : index
    %swap3A_103 = arith.constant 0 : index
    %swap3A_104 = vector.load %arg6[%swap3A_102, %swap3A_103] : memref<4x128xf32, #tpu.memory_space<vmem>>, vector<1x128xf32>
    tpu.vector_store %arg6[%swap3A_102, %swap3A_103], %broadcast_in_dim3A_101 {strides = array<i32>} : memref<4x128xf32, #tpu.memory_space<vmem>>, vector<1x128xf32>,
    %get3A_105 = arith.constant 3 : index
    %get3A_106 = memref.load %arg0[%get3A_105] : memref<4xf32, #tpu.memory_space<smem>>
    %get3A_107 = arith.constant 3 : index
    %get3A_108 = memref.load %arg1[%get3A_107] : memref<4xf32, #tpu.memory_space<smem>>
    %logistic3A_109 = arith.negf %get3A_108 : f32
    %logistic3A_110 = math.exp %logistic3A_109 : f32
    %logistic3A_111 = arith.constant 1.000000e+00 : f32
    %logistic3A_112 = arith.addf %logistic3A_111, %logistic3A_110 : f32
    %logistic3A_113 = arith.divf %logistic3A_111, %logistic3A_112 : f32
    %exp3A_114 = math.exp %get3A_106 : f32
    %tanh3A_115 = math.tanh %get3A_106 : f32
    %mul3A_116 = arith.mulf %exp3A_114, %tanh3A_115 : f32
    %mul3A_117 = vector.broadcast %logistic3A_113 : f32 to vector<1x10000xf32>
    %mul3A_118 = arith.mulf %mul3A_117, %log3A : vector<1x10000xf32>
    %exp3A_119 = math.exp %mul3A_118 : vector<1x10000xf32>
    %mul3A_120 = vector.broadcast %exp3A_114 : f32 to vector<1x10000xf32>
    %mul3A_121 = arith.mulf %mul3A_120, %exp3A_119 : vector<1x10000xf32>
    %swap3A_122 = arith.constant 3 : index
    %swap3A_123 = arith.constant 0 : index
    %swap3A_124 = vector.load %arg4[%swap3A_122, %swap3A_123] : memref<4x10000xf32, #tpu.memory_space<vmem>>, vector<1x10000xf32>
    tpu.vector_store %arg4[%swap3A_122, %swap3A_123], %mul3A_121 {strides = array<i32>} : memref<4x10000xf32, #tpu.memory_space<vmem>>, vector<1x10000xf32>,
    %sub3A_125 = arith.constant 1.000000e+00 : f32
    %sub3A_126 = arith.subf %logistic3A_113, %sub3A_125 : f32
    %mul3A_127 = vector.broadcast %sub3A_126 : f32 to vector<1x10000xf32>
    %mul3A_128 = arith.mulf %mul3A_127, %log3A : vector<1x10000xf32>
    %exp3A_129 = math.exp %mul3A_128 : vector<1x10000xf32>
    %mul3A_130 = vector.broadcast %mul3A_116 : f32 to vector<1x10000xf32>
    %mul3A_131 = arith.mulf %mul3A_130, %exp3A_129 : vector<1x10000xf32>
    %swap3A_132 = arith.constant 3 : index
    %swap3A_133 = arith.constant 0 : index
    %swap3A_134 = vector.load %arg5[%swap3A_132, %swap3A_133] : memref<4x10000xf32, #tpu.memory_space<vmem>>, vector<1x10000xf32>
    tpu.vector_store %arg5[%swap3A_132, %swap3A_133], %mul3A_131 {strides = array<i32>} : memref<4x10000xf32, #tpu.memory_space<vmem>>, vector<1x10000xf32>,
    %get3A_135 = arith.constant 3 : index
    %get3A_136 = memref.load %arg2[%get3A_135] : memref<4xf32, #tpu.memory_space<smem>>
    %broadcast_in_dim3A_137 = vector.broadcast %get3A_136 : f32 to vector<1x128xf32>
    %swap3A_138 = arith.constant 3 : index
    %swap3A_139 = arith.constant 0 : index
    %swap3A_140 = vector.load %arg6[%swap3A_138, %swap3A_139] : memref<4x128xf32, #tpu.memory_space<vmem>>, vector<1x128xf32>
    tpu.vector_store %arg6[%swap3A_138, %swap3A_139], %broadcast_in_dim3A_137 {strides = array<i32>} : memref<4x128xf32, #tpu.memory_space<vmem>>, vector<1x128xf32>,
    return
  }
}

</mosaic_0001>

<sc_bundles>
// kernel: kernel.5.cloned.1.call-start
scs
__scs_entry_jumppad:
0x0: {  	(pc) =	sbr.rel $0x88, $3  }
0x1: {  	(tag) =	ssettag $0x0;
	lr =	simm.s32 $0x1  }
0x2: {  	[smem:$0x3F9C] =	sst lr;
	_ =	strace $0xD0000000  }
0x3: {  	_ = 	snop  }
0x4: {  	_ = 	snop  }
0x5: {  	_ = 	snop  }
0x6: {  	_ = 	snop  }
0x7: {  	_ = 	snop  }
__scs_overlays_trampoline_lowered:
0x8: {  	[smem:$0x3FAB] =	sst s0  }
0x9: {  	[smem:$0x3FAC] =	sst s1  }
0xa: {  	[smem:$0x3FAD] =	sst s2  }
0xb: {  	[smem:$0x3FAE] =	sst s3  }
0xc: {  	[smem:$0x3FAF] =	sst s4  }
0xd: {  	[smem:$0x3FB0] =	sst s5  }
0xe: {  	[smem:$0x3FB1] =	sst s6  }
0xf: {  	[smem:$0x3FB2] =	sst s7  }
0x10: {  	[smem:$0x3FB3] =	sst s8  }
0x11: {  	[smem:$0x3FB4] =	sst s9;
	s0 =	simm.s32 @!p0 $0x0  }
0x12: {  	s1 =	sld [smem:$0x3F9A];
	s0 =	simm.s32 @p0 $0x1  }
0x13: {  	[smem:$0x3FB5] =	sst s0;
	s0 =	simm.s32 @!p1 $0x0  }
0x14: {  	s2 =	sld [smem:$0x3F99];
	s0 =	simm.s32 @p1 $0x1  }
0x15: {  	[smem:$0x3FB6] =	sst s0;
	s0 =	simm.s32 @!p2 $0x0  }
0x16: {  	s3 =	sld [smem:$0x3FDB];
	s0 =	simm.s32 @p2 $0x1  }
0x17: {  	s4 =	simm.s32 $0x1BF5;
	[smem:$0x3FB8] =	sst s0  }
0x18: {  	s0 =	sld [smem:$0x3F9B];
	_ =	swait.ge [sflag:s4], $0x0  }
0x19: {  	s7 =	sld [smem:$0x3F9C]  }
0x1a: {  	s8 =	sadd.s32 $0xFFFFE003, lr  }
0x1b: {  	s9 =	sadd.s32 $0xFFFFFEF7, lr;
	s5 =	simm.s32 $0xFFFFFFFF;
	p2 =	slt.u32 s8, $0xFFFFF086  }
0x1c: {  	p1 =	slt.u32 s9, $0xF7A;
	s5 =	simm.s32 @!p2 $0x0  }
0x1d: {  	s5 =	simm.s32 @p1 $0x1;
	p0 =	seq.s32 s7, s2  }
0x1e: {  	s7 =	smul.u32 @!p0 $0xF7A, s2;
	p2 =	seq.s32 @!p0 s5, $0x0  }
0x1f: {  	s9 =	smul.u32 $0xF7A, s1;
	s8 =	simm.s32 @!p0 $0x1BF5;
	p2 =	por !p2, p0  }
0x20: {  	[sflag:s8] =	ssyncset.s32 @!p0 $0xFFFFF086;
	s6 =	sadd.s32 @!p0 s3, s7;
	s7 =	simm.s32 @!p0 $0x108  }
0x21: {  	s3 =	sadd.s32 s3, s9;
	s6 =	sadd.s32 @!p0 $0x88, s6;
	s7 =	simm.s32 @p2 $0x1082  }
0x22: {  	[simem:s7], [sflag:s8] =	dma.local @!p0 [hbm:s6], $0xF7A  }
0x23: {  	s9 =	sor.u32 $0xD0000000, s2;
	s6 =	simm.s32 $0x108;
	_ =	swait.ge @!p0 [sflag:s8], $0x0  }
0x24: {  	s3 =	sadd.s32 $0x88, s3;
	s6 =	simm.s32 @!p1 $0x1082;
	[sflag:s4] =	ssyncset.s32 $0xFFFFF086  }
0x25: {  	[simem:s6], [sflag:s4] =	dma.local [hbm:s3], $0xF7A  }
0x26: {  	[smem:$0x3F9C] =	sst s1;
	(tag) =	ssettag s2;
	_ =	strace s9  }
0x27: {  	s1 =	sld [smem:$0x3FAC]  }
0x28: {  	s2 =	sld [smem:$0x3FAD]  }
0x29: {  	s4 =	sld [smem:$0x3FAF]  }
0x2a: {  	p0 =	seq.s32 s5, $0x0;
	s5 =	sld [smem:$0x3FB0]  }
0x2b: {  	s6 =	sld [smem:$0x3FB1]  }
0x2c: {  	s7 =	sld [smem:$0x3FB2]  }
0x2d: {  	s3 =	simm.s32 $0x108;
	s8 =	sld [smem:$0x3FB3]  }
0x2e: {  	s3 =	simm.s32 @!p0 $0x1082;
	s9 =	sld [smem:$0x3FB4]  }
0x2f: {  	lr =	sadd.s32 s0, s3;
	s0 =	sld [smem:$0x3FAB]  }
0x30: {  	s3 =	sld [smem:$0x3FAE]  }
0x31: {  	[smem:$0x3FB7] =	sst s10  }
0x32: {  	s10 =	sld [smem:$0x3FB5];
	_ =	sdelay $0x3  }
0x33: {  	p0 =	seq.s32 s10, $0x1;
	s10 =	sld [smem:$0x3FB7];
	_ =	sdelay $0x3  }
0x34: {  	[smem:$0x3FB7] =	sst s10  }
0x35: {  	s10 =	sld [smem:$0x3FB6];
	_ =	sdelay $0x3  }
0x36: {  	p1 =	seq.s32 s10, $0x1;
	s10 =	sld [smem:$0x3FB7];
	_ =	sdelay $0x3  }
0x37: {  	[smem:$0x3FB7] =	sst s10  }
0x38: {  	s10 =	sld [smem:$0x3FB8]  }
0x39: {  	_ = 	snop;
	(pc) =	sbr.ind lr, $3  }
0x3a: {  	_ = 	snop  }
0x3b: {  	_ = 	snop  }
0x3c: {  	p2 =	seq.s32 s10, $0x1;
	s10 =	sld [smem:$0x3FB7]  }
0x3d: {  	_ =	shalt  }
0x3e: {  	_ =	shalt  }
0x3f: {  	_ =	shalt  }
0x40: {  	_ =	shalt  }
0x41: {  	_ =	shalt  }
0x42: {  	_ =	shalt  }
0x43: {  	_ =	shalt  }
0x44: {  	_ =	shalt  }
0x45: {  	_ =	shalt  }
0x46: {  	_ =	shalt  }
0x47: {  	_ =	shalt  }
0x48: {  	_ =	shalt  }
0x49: {  	_ =	shalt  }
0x4a: {  	_ =	shalt  }
0x4b: {  	_ =	shalt  }
0x4c: {  	_ =	shalt  }
0x4d: {  	_ =	shalt  }
0x4e: {  	_ =	shalt  }
0x4f: {  	_ =	shalt  }
0x50: {  	_ =	shalt  }
0x51: {  	_ =	shalt  }
0x52: {  	_ =	shalt  }
0x53: {  	_ =	shalt  }
0x54: {  	_ =	shalt  }
0x55: {  	_ =	shalt  }
0x56: {  	_ =	shalt  }
0x57: {  	_ =	shalt  }
0x58: {  	_ =	shalt  }
0x59: {  	_ =	shalt  }
0x5a: {  	_ =	shalt  }
0x5b: {  	_ =	shalt  }
0x5c: {  	_ =	shalt  }
0x5d: {  	_ =	shalt  }
0x5e: {  	_ =	shalt  }
0x5f: {  	_ =	shalt  }
0x60: {  	_ =	shalt  }
0x61: {  	_ =	shalt  }
0x62: {  	_ =	shalt  }
0x63: {  	_ =	shalt  }
0x64: {  	_ =	shalt  }
0x65: {  	_ =	shalt  }
0x66: {  	_ =	shalt  }
0x67: {  	_ =	shalt  }
0x68: {  	_ =	shalt  }
0x69: {  	_ =	shalt  }
0x6a: {  	_ =	shalt  }
0x6b: {  	_ =	shalt  }
0x6c: {  	_ =	shalt  }
0x6d: {  	_ =	shalt  }
0x6e: {  	_ =	shalt  }
0x6f: {  	_ =	shalt  }
0x70: {  	_ =	shalt  }
0x71: {  	_ =	shalt  }
0x72: {  	_ =	shalt  }
0x73: {  	_ =	shalt  }
0x74: {  	_ =	shalt  }
0x75: {  	_ =	shalt  }
0x76: {  	_ =	shalt  }
0x77: {  	_ =	shalt  }
0x78: {  	_ =	shalt  }
0x79: {  	_ =	shalt  }
0x7a: {  	_ =	shalt  }
0x7b: {  	_ =	shalt  }
0x7c: {  	_ =	shalt  }
0x7d: {  	_ =	shalt  }
0x7e: {  	_ =	shalt  }
0x7f: {  	_ =	shalt  }
0x80: {  	_ =	shalt  }
0x81: {  	_ =	shalt  }
0x82: {  	_ =	shalt  }
0x83: {  	_ =	shalt  }
0x84: {  	_ =	shalt  }
0x85: {  	_ =	shalt  }
0x86: {  	_ =	shalt  }
0x87: {  	_ =	shalt  }
.Lfunc_end0:
.L_simem_size_0:
called_computation_lowered:
.L_overlay_start_0:
0x88: {  	s2 =	sld [smem:$0x3FD9]  }
0x89: {  	s3 =	sld [smem:$0x3FFE];
	_ =	sdelay $0x1  }
0x8a: {  	s1 =	srdreg.scid  }
0x8b: {  	s0 =	sand.u32 $0x1, s1  }
0x8c: {  	s16 =	sshll.u32 s0, $0xA;
	s2 =	sadd.s32 s3, s2  }
0x8d: {  	s2 =	sadd.s32 s2, s16  }
0x8e: {  	[smem:$0x3FC3] =	sst s2  }
0x8f: {  	_ = 	snop  }
0x90: {  	(tm) =	ssettm $0x1  }
0x91: {  	s17 =	sld [smem:$0x3FFB];
	_ =	sdelay $0x3  }
0x92: {  	_ =	strace s17  }
0x93: {  	s2 =	sld [smem:$0x3FFC];
	_ =	sdelay $0x3  }
0x94: {  	_ =	strace s2  }
0x95: {  	s2 =	sld [smem:$0x3FFD];
	_ =	sdelay $0x3  }
0x96: {  	_ =	strace s2  }
0x97: {  	_ =	strace $0x8FFFFFFF  }
0x98: {  	s18 =	sld [smem:$0x3FDB];
	_ =	sdelay $0x1  }
0x99: {  	s19 =	simm.s32 $_scs_section_size  }
0x9a: {  	s4 =	simm.s32 $_size__tile_overlayer_lowered;
	s5 =	simm.s32 $_tile_overlayer_lowered  }
0x9b: {  	s22 =	simm.s32 $0x1BFF;
	s21 =	sshll.u32 s5, $0x1;
	s2 =	sadd.s32 s19, s18  }
0x9c: {  	s6 =	simm.s32 $0x0;
	s20 =	sshll.u32 s4, $0x1;
	s4 =	sadd.s32 s21, s2  }
0x9d: {  	[timem:s6], [sflag:s22] =	dma.local [hbm:s4], s20  }
0x9e: {  	_ =	swait.ge [sflag:s22], s20  }
0x9f: {  	s3 =	ssub.s32 $0x0, s20;
	[sflag:s22] =	ssyncset.done $0x0  }
0xa0: {  	[sflag:s22] =	ssyncadd.s32 s3;
	_ =	sdelay $0x1  }
0xa1: {  	s23 =	simm.s32 $0x1B8B  }
0xa2: {  	_ =	swait.ge [sflag:s23], $0x1  }
0xa3: {  	[sflag:s23] =	ssyncset.done $0x0  }
0xa4: {  	s25 =	simm.s32 $0x1B8E;
	s24 =	sld [smem:$0x3FFE];
	[sflag:s23] =	ssyncadd.s32 $0xFFFFFFFF  }
0xa5: {  	s26 =	simm.s32 $execute0_lowered;
	[smem:$0x3FD2] =	sst s25  }
0xa6: {  	s4 =	sshll.u32 s26, $0x1;
	_ =	strace $0x80000046;
	[dreg:$0x1] =	wrdreg $0xFFFFFFFF  }
0xa7: {  	s28 =	simm.s32 $_size_execute0_lowered;
	s2 =	sadd.s32 s2, s4;
	[dreg:$0x0] =	wrdreg $0x0  }
0xa8: {  	s4 =	sshll.u32 s28, $0x1;
	[dreg:$0x2] =	wrdreg s2  }
0xa9: {  	[dreg:$0x3] =	wrdreg s4  }
0xaa: {  	[dreg:$0x4] =	wrdreg $0xC0  }
0xab: {  	_ =	task [dreg:s6], $0x5FFFF  }
0xac: {  	[dreg:$0x1] =	wrdreg $0xFFFFFFFF  }
0xad: {  	[dreg:$0x0] =	wrdreg $0x60  }
0xae: {  	[dreg:$0x2] =	wrdreg s24  }
0xaf: {  	[dreg:$0x3] =	wrdreg $0x9  }
0xb0: {  	_ =	task.clear_ibuf [dreg:s6], $0x4FFFF;
	_ =	strace $0x90000046  }
0xb1: {  	s29 =	simm.s32 $0x9;
	_ =	strace $0x80000048  }
0xb2: {  	_ =	swait.ge [sflag:s29], $0x1  }
0xb3: {  	[sflag:s29] =	ssyncadd.s32 $0xFFFFFFFF  }
0xb4: {  	_ =	strace $0x90000048  }
0xb5: {  	_ =	sfence  }
0xb6: {  	s30 =	sld [smem:$0x0];
	_ =	sdelay $0x2  }
0xb7: {  	s31 =	sshll.u32 s1, $0xD;
	s1 =	sshrl.u32 s1, $0x2  }
0xb8: {  	s3 =	sand.u32 $0x4000, s31;
	s1 =	sadd.s32 s1, s30  }
0xb9: {  	s0 =	sor.u32 s3, s0;
	s1 =	sshll.u32 s1, $0x11  }
0xba: {  	s0 =	sor.u32 s1, s0  }
0xbb: {  	s0 =	sadd.s32 $0x8F2B, s0  }
0xbc: {  	[sflag:s0] =	ssyncadd.remote.s32 $0x1  }
0xbd: {  	_ =	sfence.sel $0xFFFF  }
0xbe: {  	[dreg:$0x0] =	wrdreg $0xFFFFFFFF;
	(pc) =	sbr.abs _section_cstart, $3  }
0xbf: {  	[dreg:$0x1] =	wrdreg $0xFFFFFFFF  }
0xc0: {  	_ =	task.clear_ibuf [dreg:s6], $0x2FFFF;
	_ =	strace $0x9FFFFFFF  }
0xc1: {  	(tm) =	ssettm $0x7FFFFFFF  }
tec
execute0_lowered:
.L_overlay_start_1:
0x0: {  	(tag) =	ssettag $0x1  }
0x1: {  	s1 =	srdreg.scid;
	s0 =	stileid.u32  }
0x2: {  	s4 =	rddreg [dreg:$0x0];
	s2 =	simm.s32 $0x0;
	s11 =	simm.s32 $0xA380  }
0x3: {  	s12 =	simm.s32 $0x4F00;
	s3 =	sand.u32 $0x1, s1;
	s30 =	sshll.u32 s0, $0x1  }
0x4: {  	s13 =	simm.s32 $0xA400;
	s14 =	simm.s32 $0x7C00;
	s5 =	sor.u32 s3, s30  }
0x5: {  	s15 =	simm.s32 $0xA480;
	s1 =	rddreg [dreg:$0x1];
	s6 =	smul.u32 $0x4E2, s5  }
0x6: {  	s16 =	simm.s32 $0x0;
	[smem:$0x7FF] =	sst s2;
	s7 =	smul.u32 $0x5A0, s5  }
0x7: {  	s3 =	ssub.s32 $0x2, s3;
	s8 =	smul.u32 $0x4E4, s5;
	s5 =	sshll.u32 s5, $0x1  }
0x8: {  	_ =	strace $0x80000047;
	s31 =	sshrl.u32 s3, $0x1;
	s9 =	sadd.s32 s5, s4  }
0x9: {  	v0 =	vlaneseq.u32;
	v2 =	vimm.s32 $0x0;
	s10 =	ssub.s32 s3, s31;
	s6 =	sadd.s32 s6, s4;
	s7 =	sadd.s32 s7, s4  }
0xa: {  	v1 =	vmul.u32 $0x10001, v0;
	s8 =	sadd.s32 s8, s4;
	s3 =	sadd.s32 $0x1400, s6;
	s4 =	sadd.s32 $0xB200, s6  }
0xb: {  	v3 =	vimm.f32 $1.000000000e+00;
	s5 =	sadd.s32 $0x15000, s7;
	s6 =	sadd.s32 $0x20400, s8;
	s7 =	sadd.s32 $0x2A200, s9  }
0xc: {  	v4 =	vimm.s32 $0x1;
	v0 =	vimm.f32 $0.0e+00;
	v1 =	vadd.s32 $0x27102710, v1;
	s8 =	smax.u32 s10, $0x1;
	s9 =	simm.s32 $0x1;
	s10 =	simm.s32 $0x2780  }
.LBB2_1:
0xd: {  	[tilespmem:s2], [sflag:$0x1] =	stream.linear.gather [hbm4b:s3+s2], $0x2710, $0x38;
	[tilespmem:$0xA500] =	vst v63  }
0xe: {  	_ =	swait.ge [sflag:s9], $0x2710  }
0xf: {  	[sflag:s9] =	ssyncset.done $0x0  }
0x10: {  	s17 =	simm.s32 $0x27C0;
	[sflag:s9] =	ssyncadd.s32 $0xFFFFD8F0  }
0x11: {  	[tilespmem:s17+$0xFFFFFFC0] =	vst v0  }
0x12: {  	[tilespmem:s17+$0x30] =	vst v0  }
0x13: {  	[tilespmem:s17+$0x20] =	vst v0  }
0x14: {  	[tilespmem:s17+$0x10] =	vst v0  }
0x15: {  	[tilespmem:s17+$0x0] =	vst v0  }
0x16: {  	[tilespmem:s17+$0xFFFFFFF0] =	vst v0  }
0x17: {  	s18 =	simm.s32 $0x0;
	[tilespmem:s17+$0xFFFFFFE0] =	vst v0  }
.LBB2_2:
0x18: {  	s18 =	sadd.s32 $0x8, s18;
	[tilespmem:s17+$0xFFFFFFD0] =	vst v0;
	s17 =	sadd.s32 $0x80, s17  }
0x19: {  	[tilespmem:s17+$0xFFFFFFC0] =	vst v0;
	p0 =	slt.u32 s18, $0x268  }
0x1a: {  	[tilespmem:s17+$0x30] =	vst v0  }
.Ltmp0:
0x1b: {  	[tilespmem:s17+$0x20] =	vst v0;
	(pc) =	sbr.rel @p0 .LBB2_2-.Ltmp0, $4  }
0x1c: {  	[tilespmem:s17+$0x10] =	vst v0  }
0x1d: {  	[tilespmem:s17+$0x0] =	vst v0  }
0x1e: {  	[tilespmem:s17+$0xFFFFFFF0] =	vst v0  }
0x1f: {  	[tilespmem:s17+$0xFFFFFFE0] =	vst v0  }
0x20: {  	[tilespmem:s17+$0xFFFFFFD0] =	vst v0  }
0x21: {  	s18 =	simm.s32 $0x4F40;
	[tilespmem:$0x4E80] =	vst v0  }
0x22: {  	[tilespmem:s18+$0xFFFFFFC0] =	vst v1  }
0x23: {  	[tilespmem:s18+$0x30] =	vst v1  }
0x24: {  	[tilespmem:s18+$0x20] =	vst v1  }
0x25: {  	[tilespmem:s18+$0x10] =	vst v1  }
0x26: {  	[tilespmem:s18+$0x0] =	vst v1  }
0x27: {  	[tilespmem:s18+$0xFFFFFFF0] =	vst v1  }
0x28: {  	s19 =	simm.s32 $0x0;
	[tilespmem:s18+$0xFFFFFFE0] =	vst v1  }
.LBB2_4:
0x29: {  	s19 =	sadd.s32 $0x8, s19;
	[tilespmem:s18+$0xFFFFFFD0] =	vst v1;
	s18 =	sadd.s32 $0x80, s18;
	s17 =	simm.s32 $0x7C40  }
0x2a: {  	[tilespmem:s18+$0xFFFFFFC0] =	vst v1;
	p0 =	slt.u32 s19, $0x2C8  }
0x2b: {  	[tilespmem:s18+$0x30] =	vst v1  }
.Ltmp1:
0x2c: {  	[tilespmem:s18+$0x20] =	vst v1;
	(pc) =	sbr.rel @p0 .LBB2_4-.Ltmp1, $4  }
0x2d: {  	[tilespmem:s18+$0x10] =	vst v1  }
0x2e: {  	[tilespmem:s18+$0x0] =	vst v1  }
0x2f: {  	[tilespmem:s18+$0xFFFFFFF0] =	vst v1  }
0x30: {  	[tilespmem:s18+$0xFFFFFFE0] =	vst v1  }
0x31: {  	[tilespmem:s18+$0xFFFFFFD0] =	vst v1  }
0x32: {  	[tilespmem:s17+$0xFFFFFFC0] =	vst v1  }
0x33: {  	[tilespmem:s17+$0x30] =	vst v1  }
0x34: {  	[tilespmem:s17+$0x20] =	vst v1  }
0x35: {  	[tilespmem:s17+$0x10] =	vst v1  }
0x36: {  	[tilespmem:s17+$0x0] =	vst v1  }
0x37: {  	[tilespmem:s17+$0xFFFFFFF0] =	vst v1  }
0x38: {  	s18 =	simm.s32 $0x0;
	[tilespmem:s17+$0xFFFFFFE0] =	vst v1  }
.LBB2_6:
0x39: {  	s18 =	sadd.s32 $0x8, s18;
	[tilespmem:s17+$0xFFFFFFD0] =	vst v1;
	s17 =	sadd.s32 $0x80, s17  }
0x3a: {  	[tilespmem:s17+$0xFFFFFFC0] =	vst v1;
	p0 =	slt.u32 s18, $0x268  }
0x3b: {  	[tilespmem:s17+$0x30] =	vst v1  }
.Ltmp2:
0x3c: {  	[tilespmem:s17+$0x20] =	vst v1;
	(pc) =	sbr.rel @p0 .LBB2_6-.Ltmp2, $4  }
0x3d: {  	[tilespmem:s17+$0x10] =	vst v1  }
0x3e: {  	[tilespmem:s17+$0x0] =	vst v1  }
0x3f: {  	[tilespmem:s17+$0xFFFFFFF0] =	vst v1  }
0x40: {  	[tilespmem:s17+$0xFFFFFFE0] =	vst v1  }
0x41: {  	[tilespmem:s17+$0xFFFFFFD0] =	vst v1;
	s17 =	simm.s32 $0x0  }
.LBB2_8:
0x42: {  	p0 =	sne.s32 s17, $0x40  }
.Ltmp3:
0x43: {  	_ = 	snop;
	(pc) =	sbr.rel @p0 .LBB2_8-.Ltmp3, $3  }
0x44: {  	_ =	sdelay $0x1  }
0x45: {  	s18 =	sshra.s32 s17, $0x2  }
0x46: {  	s17 =	sadd.s32 $0x40, s17;
	[tilespmem:s18+$0xA300] =	vst v1  }
0x47: {  	[tilespmem:$0xA380] =	vst v2  }
0x48: {  	[tilespmem:$0xA400] =	vst v2;
	s17 =	simm.s32 $0x0  }
0x49: {  	v5 =	vld [tilespmem:s17+$0x0];
	_ =	sdelay $0x4  }
0x4a: {  	v6 =	vshrl.u32 v5, $0x10  }
0x4b: {  	v6 =	vand.u32 $0xF, v6  }
0x4c: {  	(xrf1) =	vunique.msk.u32 $0xffff, v6;
	_ =	sdelay $0x3  }
0x4d: {  	v7 =	vand.u32 $0xFFFF, v5;
	_ =	sdelay $0x4  }
0x4e: {  	[tilespmem:v7+s10+$0x0] =	vst.idx.add.f32.msk $0xffff, v3  }
0x4f: {  	v7 =	vld.idx.msk [tilespmem:v6+s11+$0x0], $0xffff;
	_ =	sdelay $0x3  }
0x50: {  	_, v8, _ =	vpop (xrf1)  }
0x51: {  	v7 =	vadd.s32 v7, v8  }
0x52: {  	vm0 =	vge.s32 v7, $0x2D0  }
0x53: {  	(xrf1) =	vunique.msk.u32 vm0, v2;
	_ =	sdelay $0x2  }
0x54: {  	vm1 =	vlt.s32 v7, $0x2D0;
	v7 =	vshll.u32 v7, $0x4  }
0x55: {  	v7 =	vor.u32 v6, v7;
	_ =	sdelay $0x3  }
0x56: {  	[tilespmem:v6+s11+$0x0] =	vst.idx.add.s32.msk $0xffff, v4  }
0x57: {  	[tilespmem:v7+s12+$0x0] =	vst.idx.msk vm1, v5  }
0x58: {  	v6 =	vld.msk [tilespmem:s13+$0x0], $0xffff;
	_ =	sdelay $0x3  }
0x59: {  	_, v7, _ =	vpop (xrf1)  }
0x5a: {  	v6 =	vadd.s32 v6, v7;
	_ =	sdelay $0x4  }
0x5b: {  	s18 =	simm.s32 $0x80;
	s17 =	simm.s32 $0x40;
	[tilespmem:v6+s14+$0x0] =	vst.idx.msk vm0, v5  }
.LBB2_10:
0x5c: {  	p0 =	sne.s32 s18, $0x9C00  }
0x5d: {  	s19 =	sshra.s32 s17, $0x2;
	[tilespmem:v2+s13+$0x0] =	vst.idx.add.s32.msk vm0, v4;
	s17 =	smov.u32 s18;
	s18 =	sadd.s32 $0x40, s18  }
0x5e: {  	v5 =	vld [tilespmem:s19+$0x0];
	_ =	sdelay $0x4  }
0x5f: {  	v6 =	vshrl.u32 v5, $0x10;
	v7 =	vand.u32 $0xFFFF, v5  }
0x60: {  	v6 =	vand.u32 $0xF, v6  }
0x61: {  	(xrf1) =	vunique.msk.u32 $0xffff, v6;
	_ =	sdelay $0x7  }
0x62: {  	[tilespmem:v7+s10+$0x0] =	vst.idx.add.f32.msk $0xffff, v3  }
0x63: {  	v7 =	vld.idx.msk [tilespmem:v6+s11+$0x0], $0xffff;
	_ =	sdelay $0x4  }
0x64: {  	_, v8, _ =	vpop (xrf1)  }
0x65: {  	v7 =	vadd.s32 v7, v8  }
0x66: {  	vm0 =	vge.s32 v7, $0x2D0;
	vm1 =	vlt.s32 v7, $0x2D0;
	v7 =	vshll.u32 v7, $0x4  }
0x67: {  	v7 =	vor.u32 v6, v7;
	(xrf1) =	vunique.msk.u32 vm0, v2;
	_ =	sdelay $0x3  }
0x68: {  	[tilespmem:v6+s11+$0x0] =	vst.idx.add.s32.msk $0xffff, v4  }
0x69: {  	[tilespmem:v7+s12+$0x0] =	vst.idx.msk vm1, v5;
	_ =	sdelay $0x4  }
0x6a: {  	v6 =	vld.msk [tilespmem:s13+$0x0], $0xffff;
	_ =	sdelay $0x3  }
0x6b: {  	_, v7, _ =	vpop (xrf1)  }
0x6c: {  	v6 =	vadd.s32 v6, v7  }
.Ltmp4:
0x6d: {  	(pc) =	sbr.rel @p0 .LBB2_10-.Ltmp4, $2  }
0x6e: {  	_ =	sdelay $0x2  }
0x6f: {  	[tilespmem:v6+s14+$0x0] =	vst.idx.msk vm0, v5  }
0x70: {  	_ =	sdelay $0x4  }
0x71: {  	s17 =	sshra.s32 s17, $0x2;
	[tilespmem:v2+s13+$0x0] =	vst.idx.add.s32.msk vm0, v4  }
0x72: {  	v5 =	vld [tilespmem:s17+$0x0];
	_ =	sdelay $0x4  }
0x73: {  	v6 =	vshrl.u32 v5, $0x10  }
0x74: {  	v6 =	vand.u32 $0xF, v6  }
0x75: {  	(xrf1) =	vunique.msk.u32 $0xffff, v6;
	_ =	sdelay $0x3  }
0x76: {  	v7 =	vand.u32 $0xFFFF, v5;
	_ =	sdelay $0x4  }
0x77: {  	[tilespmem:v7+s10+$0x0] =	vst.idx.add.f32.msk $0xffff, v3  }
0x78: {  	v7 =	vld.idx.msk [tilespmem:v6+s11+$0x0], $0xffff;
	_ =	sdelay $0x3  }
0x79: {  	_, v8, _ =	vpop (xrf1)  }
0x7a: {  	v7 =	vadd.s32 v7, v8  }
0x7b: {  	vm15 =	vge.s32 v7, $0x2D0  }
0x7c: {  	(xrf1) =	vunique.msk.u32 vm15, v2;
	_ =	sdelay $0x2  }
0x7d: {  	vm1 =	vlt.s32 v7, $0x2D0;
	v7 =	vshll.u32 v7, $0x4  }
0x7e: {  	v7 =	vor.u32 v6, v7;
	_ =	sdelay $0x3  }
0x7f: {  	[tilespmem:v6+s11+$0x0] =	vst.idx.add.s32.msk $0xffff, v4  }
0x80: {  	[tilespmem:v7+s12+$0x0] =	vst.idx.msk vm1, v5  }
0x81: {  	v6 =	vld.msk [tilespmem:s13+$0x0], $0xffff;
	_ =	sdelay $0x3  }
0x82: {  	_, v7, _ =	vpop (xrf1)  }
0x83: {  	v6 =	vadd.s32 v6, v7;
	_ =	sdelay $0x4  }
0x84: {  	[tilespmem:v6+s14+$0x0] =	vst.idx.msk vm15, v5  }
0x85: {  	[tilespmem:v2+s13+$0x0] =	vst.idx.add.s32.msk vm15, v4  }
0x86: {  	v5 =	vld [tilespmem:$0xA400];
	_ =	sdelay $0x4  }
0x87: {  	v5 =	vxor.u32 $0x80000000, v5  }
0x88: {  	(xrf0) =	vmax.scan.msk.u32 $0xffff, v5;
	_ =	sdelay $0x5  }
0x89: {  	v5, _, _ =	vpop (xrf0)  }
0x8a: {  	(v2sf) =	vpush v5, $0xF;
	_ =	sdelay $0xe  }
0x8b: {  	s30 =	spop (v2sf)  }
0x8c: {  	s18 =	sadd.s32 $0x80000010, s30;
	s19 =	sand.u32 $0xF, s30  }
0x8d: {  	p0 =	sne.s32 s19, $0x0;
	s31 =	sshra.s32 s18, $0x1F;
	p1 =	slt.s32 s18, $0x1  }
0x8e: {  	s19 =	sshrl.u32 s31, $0x1C;
	p0 =	por !p1, !p0  }
0x8f: {  	s18 =	sadd.s32 s19, s18;
	p0 =	por !p0, !p0;
	s19 =	simm.s32 $0x1  }
0x90: {  	s18 =	sshra.s32 s18, $0x4;
	s19 =	simm.s32 @!p0 $0x0  }
0x91: {  	p0 =	sgt.u32 s30, $0x80000000;
	s17 =	ssub.s32 s18, s19  }
0x92: {  	s17 =	simm.s32 @!p0 $0x0  }
0x93: {  	v5 =	vmov s17  }
0x94: {  	[tilespmem:$0xA480] =	vst v5  }
0x95: {  	[hbm4b:s4+s2] =	stream.linear.scatter [tilespmem:s10], [sflag:$0x1], $0x2710, $0x38;
	[tilespmem:$0xA500] =	vst v63  }
0x96: {  	_ =	swait.ge [sflag:s9], $0x2710  }
0x97: {  	[sflag:s9] =	ssyncset.done $0x0  }
0x98: {  	[sflag:s9] =	ssyncadd.s32 $0xFFFFD8F0  }
0x99: {  	[hbm4b:s5+s2] =	stream.linear.scatter [tilespmem:s12], [sflag:$0x1], $0x2D00, $0x38;
	[tilespmem:$0xA500] =	vst v63  }
0x9a: {  	_ =	swait.ge [sflag:s9], $0x2D00  }
0x9b: {  	[sflag:s9] =	ssyncset.done $0x0  }
0x9c: {  	[sflag:s9] =	ssyncadd.s32 $0xFFFFD300  }
0x9d: {  	[hbm4b:s6+s2] =	stream.linear.scatter [tilespmem:s14], [sflag:$0x1], $0x2720, $0x38;
	[tilespmem:$0xA500] =	vst v63  }
0x9e: {  	s16 =	sadd.s32 $0x1, s16;
	_ =	swait.ge [sflag:s9], $0x2720  }
0x9f: {  	p0 =	sne.s32 s16, s8;
	[sflag:s9] =	ssyncset.done $0x0  }
.Ltmp5:
0xa0: {  	[sflag:s9] =	ssyncadd.s32 $0xFFFFD8E0;
	(pc) =	sbr.rel @p0 .LBB2_1-.Ltmp5, $4  }
0xa1: {  	[hbm4b:s7+s2] =	stream.linear.scatter [tilespmem:s15], [sflag:$0x1], $0x10, $0x38;
	[tilespmem:$0xA500] =	vst v63  }
0xa2: {  	_ =	swait.ge [sflag:s9], $0x10  }
0xa3: {  	[sflag:s9] =	ssyncset.done $0x0  }
0xa4: {  	[sflag:s9] =	ssyncadd.s32 $0xFFFFFFF0  }
0xa5: {  	_ =	sfence.sel $0x180000  }
0xa6: {  	[bflag:$0x0] =	sbarrier.arrive $0xFFFF  }
0xa7: {  	p0 =	sne.s32 s0, $0x0;
	_ =	strace $0x90000047  }
0xa8: {  	s0 =	sadd.s32 @!p0 $0x100000, s1;
	[bflag:$0x2] =	sbarrier.arrive $0xFFFF  }
0xa9: {  	[sflag:s0] =	ssyncadd.tile.s32 @!p0 $0x1;
	_ =	shalt  }
.Lfunc_end2:
_tile_overlayer_lowered:
.L_overlay_start_2:
0xaa: {  	(tag) =	ssettag $0x2  }
0xab: {  	s0 =	rddreg [dreg:$0x0];
	s2 =	stileid.u32  }
0xac: {  	s1 =	rddreg [dreg:$0x1];
	p0 =	sne.s32 s2, $0x0  }
0xad: {  	s3 =	rddreg [dreg:$0x2];
	[bflag:$0x3] =	sbarrier.arrive $0xFFFF;
	s2 =	simm.s32 @!p0 $0x1C01  }
0xae: {  	[timem:s3], [sflag:s2] =	dma.local @!p0 [hbm:s0], s1  }
0xaf: {  	s0 =	simm.s32 @!p0 $0x1  }
0xb0: {  	_ =	swait.ge @!p0 [sflag:s0], s1  }
0xb1: {  	s1 =	ssub.s32 @!p0 $0x0, s1;
	[sflag:s0] =	ssyncset.done @!p0 $0x0  }
0xb2: {  	[sflag:s0] =	ssyncadd.s32 @!p0 s1  }
0xb3: {  	[bflag:$0x3] =	sbarrier.arrive $0xFFFF  }
0xb4: {  	_ =	shalt  }

// kernel: kernel.8.cloned.1.call-start
scs
__scs_entry_jumppad:
0x0: {  	(pc) =	sbr.rel $0x88, $3  }
0x1: {  	(tag) =	ssettag $0x0;
	lr =	simm.s32 $0x1  }
0x2: {  	[smem:$0x3F9C] =	sst lr;
	_ =	strace $0xD0000000  }
0x3: {  	_ = 	snop  }
0x4: {  	_ = 	snop  }
0x5: {  	_ = 	snop  }
0x6: {  	_ = 	snop  }
0x7: {  	_ = 	snop  }
__scs_overlays_trampoline_lowered:
0x8: {  	[smem:$0x3FAB] =	sst s0  }
0x9: {  	[smem:$0x3FAC] =	sst s1  }
0xa: {  	[smem:$0x3FAD] =	sst s2  }
0xb: {  	[smem:$0x3FAE] =	sst s3  }
0xc: {  	[smem:$0x3FAF] =	sst s4  }
0xd: {  	[smem:$0x3FB0] =	sst s5  }
0xe: {  	[smem:$0x3FB1] =	sst s6  }
0xf: {  	[smem:$0x3FB2] =	sst s7  }
0x10: {  	[smem:$0x3FB3] =	sst s8  }
0x11: {  	[smem:$0x3FB4] =	sst s9;
	s0 =	simm.s32 @!p0 $0x0  }
0x12: {  	s1 =	sld [smem:$0x3F9A];
	s0 =	simm.s32 @p0 $0x1  }
0x13: {  	[smem:$0x3FB5] =	sst s0;
	s0 =	simm.s32 @!p1 $0x0  }
0x14: {  	s2 =	sld [smem:$0x3F99];
	s0 =	simm.s32 @p1 $0x1  }
0x15: {  	[smem:$0x3FB6] =	sst s0;
	s0 =	simm.s32 @!p2 $0x0  }
0x16: {  	s3 =	sld [smem:$0x3FDB];
	s0 =	simm.s32 @p2 $0x1  }
0x17: {  	s4 =	simm.s32 $0x1BF5;
	[smem:$0x3FB8] =	sst s0  }
0x18: {  	s0 =	sld [smem:$0x3F9B];
	_ =	swait.ge [sflag:s4], $0x0  }
0x19: {  	s7 =	sld [smem:$0x3F9C]  }
0x1a: {  	s8 =	sadd.s32 $0xFFFFE003, lr  }
0x1b: {  	s9 =	sadd.s32 $0xFFFFFEF7, lr;
	s5 =	simm.s32 $0xFFFFFFFF;
	p2 =	slt.u32 s8, $0xFFFFF086  }
0x1c: {  	p1 =	slt.u32 s9, $0xF7A;
	s5 =	simm.s32 @!p2 $0x0  }
0x1d: {  	s5 =	simm.s32 @p1 $0x1;
	p0 =	seq.s32 s7, s2  }
0x1e: {  	s7 =	smul.u32 @!p0 $0xF7A, s2;
	p2 =	seq.s32 @!p0 s5, $0x0  }
0x1f: {  	s9 =	smul.u32 $0xF7A, s1;
	s8 =	simm.s32 @!p0 $0x1BF5;
	p2 =	por !p2, p0  }
0x20: {  	[sflag:s8] =	ssyncset.s32 @!p0 $0xFFFFF086;
	s6 =	sadd.s32 @!p0 s3, s7;
	s7 =	simm.s32 @!p0 $0x108  }
0x21: {  	s3 =	sadd.s32 s3, s9;
	s6 =	sadd.s32 @!p0 $0x88, s6;
	s7 =	simm.s32 @p2 $0x1082  }
0x22: {  	[simem:s7], [sflag:s8] =	dma.local @!p0 [hbm:s6], $0xF7A  }
0x23: {  	s9 =	sor.u32 $0xD0000000, s2;
	s6 =	simm.s32 $0x108;
	_ =	swait.ge @!p0 [sflag:s8], $0x0  }
0x24: {  	s3 =	sadd.s32 $0x88, s3;
	s6 =	simm.s32 @!p1 $0x1082;
	[sflag:s4] =	ssyncset.s32 $0xFFFFF086  }
0x25: {  	[simem:s6], [sflag:s4] =	dma.local [hbm:s3], $0xF7A  }
0x26: {  	[smem:$0x3F9C] =	sst s1;
	(tag) =	ssettag s2;
	_ =	strace s9  }
0x27: {  	s1 =	sld [smem:$0x3FAC]  }
0x28: {  	s2 =	sld [smem:$0x3FAD]  }
0x29: {  	s4 =	sld [smem:$0x3FAF]  }
0x2a: {  	p0 =	seq.s32 s5, $0x0;
	s5 =	sld [smem:$0x3FB0]  }
0x2b: {  	s6 =	sld [smem:$0x3FB1]  }
0x2c: {  	s7 =	sld [smem:$0x3FB2]  }
0x2d: {  	s3 =	simm.s32 $0x108;
	s8 =	sld [smem:$0x3FB3]  }
0x2e: {  	s3 =	simm.s32 @!p0 $0x1082;
	s9 =	sld [smem:$0x3FB4]  }
0x2f: {  	lr =	sadd.s32 s0, s3;
	s0 =	sld [smem:$0x3FAB]  }
0x30: {  	s3 =	sld [smem:$0x3FAE]  }
0x31: {  	[smem:$0x3FB7] =	sst s10  }
0x32: {  	s10 =	sld [smem:$0x3FB5];
	_ =	sdelay $0x3  }
0x33: {  	p0 =	seq.s32 s10, $0x1;
	s10 =	sld [smem:$0x3FB7];
	_ =	sdelay $0x3  }
0x34: {  	[smem:$0x3FB7] =	sst s10  }
0x35: {  	s10 =	sld [smem:$0x3FB6];
	_ =	sdelay $0x3  }
0x36: {  	p1 =	seq.s32 s10, $0x1;
	s10 =	sld [smem:$0x3FB7];
	_ =	sdelay $0x3  }
0x37: {  	[smem:$0x3FB7] =	sst s10  }
0x38: {  	s10 =	sld [smem:$0x3FB8]  }
0x39: {  	_ = 	snop;
	(pc) =	sbr.ind lr, $3  }
0x3a: {  	_ = 	snop  }
0x3b: {  	_ = 	snop  }
0x3c: {  	p2 =	seq.s32 s10, $0x1;
	s10 =	sld [smem:$0x3FB7]  }
0x3d: {  	_ =	shalt  }
0x3e: {  	_ =	shalt  }
0x3f: {  	_ =	shalt  }
0x40: {  	_ =	shalt  }
0x41: {  	_ =	shalt  }
0x42: {  	_ =	shalt  }
0x43: {  	_ =	shalt  }
0x44: {  	_ =	shalt  }
0x45: {  	_ =	shalt  }
0x46: {  	_ =	shalt  }
0x47: {  	_ =	shalt  }
0x48: {  	_ =	shalt  }
0x49: {  	_ =	shalt  }
0x4a: {  	_ =	shalt  }
0x4b: {  	_ =	shalt  }
0x4c: {  	_ =	shalt  }
0x4d: {  	_ =	shalt  }
0x4e: {  	_ =	shalt  }
0x4f: {  	_ =	shalt  }
0x50: {  	_ =	shalt  }
0x51: {  	_ =	shalt  }
0x52: {  	_ =	shalt  }
0x53: {  	_ =	shalt  }
0x54: {  	_ =	shalt  }
0x55: {  	_ =	shalt  }
0x56: {  	_ =	shalt  }
0x57: {  	_ =	shalt  }
0x58: {  	_ =	shalt  }
0x59: {  	_ =	shalt  }
0x5a: {  	_ =	shalt  }
0x5b: {  	_ =	shalt  }
0x5c: {  	_ =	shalt  }
0x5d: {  	_ =	shalt  }
0x5e: {  	_ =	shalt  }
0x5f: {  	_ =	shalt  }
0x60: {  	_ =	shalt  }
0x61: {  	_ =	shalt  }
0x62: {  	_ =	shalt  }
0x63: {  	_ =	shalt  }
0x64: {  	_ =	shalt  }
0x65: {  	_ =	shalt  }
0x66: {  	_ =	shalt  }
0x67: {  	_ =	shalt  }
0x68: {  	_ =	shalt  }
0x69: {  	_ =	shalt  }
0x6a: {  	_ =	shalt  }
0x6b: {  	_ =	shalt  }
0x6c: {  	_ =	shalt  }
0x6d: {  	_ =	shalt  }
0x6e: {  	_ =	shalt  }
0x6f: {  	_ =	shalt  }
0x70: {  	_ =	shalt  }
0x71: {  	_ =	shalt  }
0x72: {  	_ =	shalt  }
0x73: {  	_ =	shalt  }
0x74: {  	_ =	shalt  }
0x75: {  	_ =	shalt  }
0x76: {  	_ =	shalt  }
0x77: {  	_ =	shalt  }
0x78: {  	_ =	shalt  }
0x79: {  	_ =	shalt  }
0x7a: {  	_ =	shalt  }
0x7b: {  	_ =	shalt  }
0x7c: {  	_ =	shalt  }
0x7d: {  	_ =	shalt  }
0x7e: {  	_ =	shalt  }
0x7f: {  	_ =	shalt  }
0x80: {  	_ =	shalt  }
0x81: {  	_ =	shalt  }
0x82: {  	_ =	shalt  }
0x83: {  	_ =	shalt  }
0x84: {  	_ =	shalt  }
0x85: {  	_ =	shalt  }
0x86: {  	_ =	shalt  }
0x87: {  	_ =	shalt  }
.Lfunc_end0:
.L_simem_size_0:
called_computation.1_lowered:
.L_overlay_start_0:
0x88: {  	s2 =	sld [smem:$0x3FD9]  }
0x89: {  	s3 =	sld [smem:$0x3FFE];
	_ =	sdelay $0x1  }
0x8a: {  	s1 =	srdreg.scid  }
0x8b: {  	s0 =	sand.u32 $0x1, s1  }
0x8c: {  	s17 =	sshll.u32 s0, $0xA;
	s2 =	sadd.s32 s3, s2  }
0x8d: {  	s2 =	sadd.s32 s2, s17  }
0x8e: {  	[smem:$0x3FC3] =	sst s2  }
0x8f: {  	_ = 	snop  }
0x90: {  	s2 =	sld [smem:$0x3FD0];
	(tm) =	ssettm $0x1  }
0x91: {  	s18 =	sld [smem:$0x3FFB];
	_ =	sdelay $0x3  }
0x92: {  	_ =	strace s18  }
0x93: {  	s3 =	sld [smem:$0x3FFC];
	_ =	sdelay $0x3  }
0x94: {  	_ =	strace s3  }
0x95: {  	s3 =	sld [smem:$0x3FFD];
	_ =	sdelay $0x3  }
0x96: {  	_ =	strace s3  }
0x97: {  	_ =	strace $0x8FFFFFFF  }
0x98: {  	s19 =	sld [smem:$0x3FDB];
	_ =	sdelay $0x1  }
0x99: {  	s4 =	simm.s32 $_scs_section_size  }
0x9a: {  	s5 =	simm.s32 $_size__tile_overlayer_lowered;
	s6 =	simm.s32 $_tile_overlayer_lowered  }
0x9b: {  	s22 =	simm.s32 $0x1BFF;
	s21 =	sshll.u32 s6, $0x1;
	s3 =	sadd.s32 s4, s19  }
0x9c: {  	s7 =	simm.s32 $0x0;
	s20 =	sshll.u32 s5, $0x1;
	s5 =	sadd.s32 s21, s3  }
0x9d: {  	[timem:s7], [sflag:s22] =	dma.local [hbm:s5], s20  }
0x9e: {  	_ =	swait.ge [sflag:s22], s20  }
0x9f: {  	s4 =	ssub.s32 $0x0, s20;
	[sflag:s22] =	ssyncset.done $0x0  }
0xa0: {  	[sflag:s22] =	ssyncadd.s32 s4;
	_ =	sdelay $0x1  }
0xa1: {  	s23 =	simm.s32 $0x1B8B  }
0xa2: {  	_ =	swait.ge [sflag:s23], $0x1  }
0xa3: {  	[sflag:s23] =	ssyncset.done $0x0  }
0xa4: {  	s25 =	simm.s32 $0x1B8E;
	s24 =	sld [smem:$0x3FFE];
	[sflag:s23] =	ssyncadd.s32 $0xFFFFFFFF  }
0xa5: {  	s26 =	simm.s32 $execute0_lowered;
	[smem:$0x3FD2] =	sst s25  }
0xa6: {  	s5 =	sshll.u32 s26, $0x1;
	_ =	strace $0x80000049;
	[dreg:$0x1] =	wrdreg $0xFFFFFFFF  }
0xa7: {  	s28 =	simm.s32 $_size_execute0_lowered;
	s3 =	sadd.s32 s3, s5;
	[dreg:$0x0] =	wrdreg $0x0  }
0xa8: {  	s5 =	sshll.u32 s28, $0x1;
	[dreg:$0x2] =	wrdreg s3  }
0xa9: {  	[dreg:$0x3] =	wrdreg s5  }
0xaa: {  	[dreg:$0x4] =	wrdreg $0xC0  }
0xab: {  	_ =	task [dreg:s7], $0x5FFFF  }
0xac: {  	[dreg:$0x1] =	wrdreg $0xFFFFFFFF  }
0xad: {  	[dreg:$0x0] =	wrdreg $0x60  }
0xae: {  	[dreg:$0x2] =	wrdreg s2  }
0xaf: {  	[dreg:$0x3] =	wrdreg s24  }
0xb0: {  	[dreg:$0x4] =	wrdreg $0x9  }
0xb1: {  	_ =	task.clear_ibuf [dreg:s7], $0x5FFFF;
	_ =	strace $0x90000049  }
0xb2: {  	s29 =	simm.s32 $0x9;
	_ =	strace $0x8000004B  }
0xb3: {  	_ =	swait.ge [sflag:s29], $0x1  }
0xb4: {  	[sflag:s29] =	ssyncadd.s32 $0xFFFFFFFF  }
0xb5: {  	_ =	strace $0x9000004B  }
0xb6: {  	_ =	sfence  }
0xb7: {  	s30 =	sld [smem:$0x0];
	_ =	sdelay $0x2  }
0xb8: {  	s31 =	sshll.u32 s1, $0xD;
	s1 =	sshrl.u32 s1, $0x2  }
0xb9: {  	s3 =	sand.u32 $0x4000, s31;
	s1 =	sadd.s32 s1, s30  }
0xba: {  	s0 =	sor.u32 s3, s0;
	s1 =	sshll.u32 s1, $0x11  }
0xbb: {  	s0 =	sor.u32 s1, s0  }
0xbc: {  	s0 =	sadd.s32 $0x8F2B, s0  }
0xbd: {  	[sflag:s0] =	ssyncadd.remote.s32 $0x1  }
0xbe: {  	_ =	sfence.sel $0xFFFF  }
0xbf: {  	[dreg:$0x0] =	wrdreg $0xFFFFFFFF;
	(pc) =	sbr.abs _section_cstart, $3  }
0xc0: {  	[dreg:$0x1] =	wrdreg $0xFFFFFFFF  }
0xc1: {  	_ =	task.clear_ibuf [dreg:s7], $0x2FFFF;
	_ =	strace $0x9FFFFFFF  }
0xc2: {  	(tm) =	ssettm $0x7FFFFFFF  }
0xc3: {  	_ =	shalt  }
tec
execute0_lowered:
.L_overlay_start_1:
0x0: {  	(tag) =	ssettag $0x1  }
0x1: {  	s0 =	rddreg [dreg:$0x0]  }
0x2: {  	s1 =	rddreg [dreg:$0x1];
	s2 =	simm.s32 $0x0  }
0x3: {  	s3 =	srdreg.scid;
	s4 =	stileid.u32;
	s15 =	simm.s32 $0x5  }
0x4: {  	s19 =	simm.s32 $0x9E00;
	s28 =	simm.s32 $0x2;
	s29 =	simm.s32 $0x16080  }
0x5: {  	s30 =	simm.s32 $0x3;
	s31 =	simm.s32 $0x4;
	[smem:$0x7FF] =	sst s2  }
0x6: {  	s5 =	sand.u32 $0x1, s3;
	s20 =	sshll.u32 s4, $0x1;
	s3 =	sadd.s32 $0x15000, s1  }
0x7: {  	s4 =	sadd.s32 $0x20400, s1;
	s21 =	sadd.s32 $0x2A200, s1;
	s7 =	sadd.s32 $0x2A00, s1  }
0x8: {  	s9 =	sadd.s32 $0x1400, s1;
	s22 =	sadd.s32 $0x2A400, s1;
	s11 =	sadd.s32 $0x15480, s1  }
0x9: {  	_ =	strace $0x8000004A;
	s6 =	sor.u32 s5, s20;
	[dreg:$0x3] =	wrdreg s21  }
0xa: {  	[dreg:$0x4] =	wrdreg s9;
	s5 =	ssub.s32 $0x2, s5;
	s8 =	smul.u32 $0x4E20, s6  }
0xb: {  	s20 =	simm.s32 $0xC580;
	s21 =	simm.s32 $0x11480;
	s10 =	sshrl.u32 s5, $0x1  }
0xc: {  	s6 =	sadd.s32 $0x1600, s1;
	s5 =	ssub.s32 s5, s10;
	s8 =	sshrl.u32 s8, $0x3  }
0xd: {  	s26 =	smax.u32 s5, $0x1;
	s5 =	simm.s32 $0x2780;
	s12 =	sadd.s32 $0x4E2, s8  }
0xe: {  	s23 =	sadd.s32 s0, s8;
	s24 =	sadd.s32 s22, s8;
	[dreg:$0x9] =	wrdreg s26  }
0xf: {  	s26 =	simm.s32 $0x7680;
	[dreg:$0x5] =	wrdreg s23;
	s0 =	sadd.s32 s0, s12  }
0x10: {  	[dreg:$0x7] =	wrdreg s24;
	s25 =	sadd.s32 s22, s12;
	s22 =	simm.s32 $0x13880  }
0x11: {  	s23 =	simm.s32 $0x1;
	s24 =	simm.s32 $0xED00;
	[dreg:$0x6] =	wrdreg s0  }
0x12: {  	v0 =	vimm.f32 $0.0e+00;
	[dreg:$0x8] =	wrdreg s25;
	s25 =	simm.s32 $0x4F00;
	s0 =	simm.s32 $0x0  }
.LBB2_1:
0x13: {  	s1 =	rddreg [dreg:$0x5]  }
0x14: {  	[tilespmem:s2], [sflag:$0x5] =	stream.linear.gather [hbm4b:s1+s2], $0x2710, $0x38;
	[tilespmem:$0x16100] =	vst v63  }
0x15: {  	_ =	swait.ge [sflag:s15], $0x2710  }
0x16: {  	[sflag:s15] =	ssyncset.done $0x0  }
0x17: {  	s12 =	rddreg [dreg:$0x6];
	[sflag:s15] =	ssyncadd.s32 $0xFFFFD8F0  }
0x18: {  	[tilespmem:s5], [sflag:$0x5] =	stream.linear.gather [hbm4b:s12+s2], $0x2710, $0x38;
	[tilespmem:$0x16100] =	vst v63  }
0x19: {  	_ =	swait.ge [sflag:s15], $0x2710  }
0x1a: {  	[sflag:s15] =	ssyncset.done $0x0  }
0x1b: {  	s14 =	simm.s32 $0x15C80;
	s13 =	rddreg [dreg:$0x4];
	[sflag:s15] =	ssyncadd.s32 $0xFFFFD8F0  }
0x1c: {  	[tilespmem:s14], [sflag:$0x5] =	stream.linear.gather [hbm4b:s13+s2], $0x200, $0x38;
	[tilespmem:$0x16100] =	vst v63  }
0x1d: {  	_ =	swait.ge [sflag:s15], $0x200  }
0x1e: {  	[sflag:s15] =	ssyncset.done $0x0  }
0x1f: {  	s17 =	simm.s32 $0x15E80;
	s16 =	rddreg [dreg:$0x3];
	[sflag:s15] =	ssyncadd.s32 $0xFFFFFE00  }
0x20: {  	[tilespmem:s17], [sflag:$0x5] =	stream.linear.gather [hbm4b:s16+s2], $0x200, $0x38;
	[tilespmem:$0x16100] =	vst v63  }
0x21: {  	_ =	swait.ge [sflag:s15], $0x200  }
0x22: {  	[sflag:s15] =	ssyncset.done $0x0  }
0x23: {  	[sflag:s15] =	ssyncadd.s32 $0xFFFFFE00  }
0x24: {  	[tilespmem:$0x2710] =	vst v0  }
0x25: {  	s18 =	simm.s32 $0x40;
	[tilespmem:$0x4E90] =	vst v0  }
0x26: {  	s5 =	simm.s32 $0x27C0;
	v2 =	vld [tilespmem:s18+$0x30]  }
0x27: {  	v3 =	vld [tilespmem:s5+$0x30]  }
0x28: {  	v1 =	vld [tilespmem:s5+$0xFFFFFFC0]  }
0x29: {  	v4 =	vld [tilespmem:s18+$0xFFFFFFD0]  }
0x2a: {  	v5 =	vld [tilespmem:s5+$0xFFFFFFD0]  }
0x2b: {  	v6 =	vld [tilespmem:s18+$0xFFFFFFE0]  }
0x2c: {  	v7 =	vld [tilespmem:s5+$0xFFFFFFE0]  }
0x2d: {  	v8 =	vld [tilespmem:s18+$0xFFFFFFF0]  }
0x2e: {  	v9 =	vld [tilespmem:s5+$0xFFFFFFF0]  }
0x2f: {  	v10 =	vld [tilespmem:s18+$0x0]  }
0x30: {  	v11 =	vld [tilespmem:s5+$0x0]  }
0x31: {  	s8 =	simm.s32 $0xED40;
	v3 =	vpack.i.f32.bf16 v3, v2;
	v2 =	vld [tilespmem:s18+$0x10]  }
0x32: {  	[tilespmem:s8+$0x30] =	vst v3;
	v3 =	vpack.i.f32.bf16 v5, v4;
	v4 =	vld [tilespmem:s5+$0x10]  }
0x33: {  	v5 =	vpack.i.f32.bf16 v7, v6;
	[tilespmem:s8+$0xFFFFFFD0] =	vst v3;
	v3 =	vld [tilespmem:s18+$0x20]  }
0x34: {  	v6 =	vpack.i.f32.bf16 v9, v8;
	[tilespmem:s8+$0xFFFFFFE0] =	vst v5;
	v5 =	vld [tilespmem:s5+$0x20]  }
0x35: {  	s9 =	simm.s32 $0x0;
	s10 =	simm.s32 $0xC0;
	v7 =	vpack.i.f32.bf16 v11, v10;
	[tilespmem:s8+$0xFFFFFFF0] =	vst v6;
	v6 =	vld [tilespmem:s18+$0xFFFFFFC0]  }
.LBB2_2:
0x36: {  	v8 =	vld [tilespmem:s10+$0x30];
	[tilespmem:s8+$0x0] =	vst v7;
	s5 =	sadd.s32 $0x80, s5  }
0x37: {  	s9 =	sadd.s32 $0x8, s9;
	v7 =	vld [tilespmem:s5+$0x30];
	v2 =	vpack.i.f32.bf16 v4, v2  }
0x38: {  	p0 =	slt.u32 s9, $0x268;
	v4 =	vld [tilespmem:s5+$0xFFFFFFC0];
	[tilespmem:s8+$0x10] =	vst v2  }
0x39: {  	v2 =	vld [tilespmem:s10+$0xFFFFFFD0];
	v3 =	vpack.i.f32.bf16 v5, v3  }
0x3a: {  	v5 =	vld [tilespmem:s5+$0xFFFFFFD0];
	v1 =	vpack.i.f32.bf16 v1, v6;
	[tilespmem:s8+$0x20] =	vst v3  }
0x3b: {  	v3 =	vld [tilespmem:s10+$0xFFFFFFE0];
	[tilespmem:s8+$0xFFFFFFC0] =	vst v1  }
0x3c: {  	s8 =	sadd.s32 $0x80, s8;
	v6 =	vld [tilespmem:s5+$0xFFFFFFE0];
	v8 =	vpack.i.f32.bf16 v7, v8  }
0x3d: {  	s1 =	simm.s32 $0x0;
	v7 =	vld [tilespmem:s10+$0xFFFFFFF0];
	[tilespmem:s8+$0x30] =	vst v8;
	v1 =	vmov v4  }
0x3e: {  	v8 =	vld [tilespmem:s5+$0xFFFFFFF0]  }
0x3f: {  	v2 =	vpack.i.f32.bf16 v5, v2;
	v9 =	vld [tilespmem:s10+$0x0]  }
0x40: {  	[tilespmem:s8+$0xFFFFFFD0] =	vst v2;
	v10 =	vld [tilespmem:s5+$0x0]  }
.Ltmp0:
0x41: {  	v3 =	vpack.i.f32.bf16 v6, v3;
	v2 =	vld [tilespmem:s10+$0x10];
	(pc) =	sbr.rel @p0 .LBB2_2-.Ltmp0, $4  }
0x42: {  	[tilespmem:s8+$0xFFFFFFE0] =	vst v3;
	v4 =	vld [tilespmem:s5+$0x10]  }
0x43: {  	v5 =	vpack.i.f32.bf16 v8, v7;
	v3 =	vld [tilespmem:s10+$0x20]  }
0x44: {  	[tilespmem:s8+$0xFFFFFFF0] =	vst v5;
	v5 =	vld [tilespmem:s5+$0x20]  }
0x45: {  	v6 =	vld [tilespmem:s10+$0xFFFFFFC0];
	v7 =	vpack.i.f32.bf16 v10, v9;
	s10 =	sadd.s32 $0x80, s10  }
0x46: {  	_ =	sdelay $0x1  }
0x47: {  	[tilespmem:s8+$0x0] =	vst v7;
	v2 =	vpack.i.f32.bf16 v4, v2  }
0x48: {  	[tilespmem:s8+$0x10] =	vst v2;
	v2 =	vpack.i.f32.bf16 v5, v3  }
0x49: {  	v1 =	vpack.i.f32.bf16 v1, v6;
	[tilespmem:s8+$0x20] =	vst v2  }
0x4a: {  	s5 =	simm.s32 $0x0;
	[tilespmem:s8+$0xFFFFFFC0] =	vst v1  }
.LBB2_4:
0x4b: {  	s8 =	sshra.s32 s5, $0x2  }
0x4c: {  	v1 =	vld [tilespmem:s8+$0x2700]  }
0x4d: {  	v2 =	vld [tilespmem:s8+$0x4E80]  }
0x4e: {  	p0 =	sne.s32 s5, $0x40  }
.Ltmp1:
0x4f: {  	_ = 	snop;
	(pc) =	sbr.rel @p0 .LBB2_4-.Ltmp1, $3  }
0x50: {  	_ =	sdelay $0x1  }
0x51: {  	v1 =	vpack.i.f32.bf16 v2, v1  }
0x52: {  	s5 =	sadd.s32 $0x40, s5;
	[tilespmem:s8+$0x11400] =	vst v1  }
.LBB2_5:
0x53: {  	s5 =	smul.u32 $0x4E2, s1;
	_ =	sdelay $0x1  }
0x54: {  	s8 =	sadd.s32 s6, s5  }
0x55: {  	[tilespmem:s19], [sflag:$0x3] =	stream.linear.gather [hbm4b:s8+s2], $0x2710, $0x38;
	[tilespmem:$0x16100] =	vst v63  }
0x56: {  	s5 =	sadd.s32 s7, s5  }
0x57: {  	[tilespmem:s20], [sflag:$0x4] =	stream.linear.gather [hbm4b:s5+s2], $0x2710, $0x38;
	[tilespmem:$0x16100] =	vst v63  }
0x58: {  	s5 =	simm.s32 $0x4F40  }
0x59: {  	[tilespmem:s5+$0xFFFFFFC0] =	vst v0  }
0x5a: {  	[tilespmem:s5+$0x30] =	vst v0  }
0x5b: {  	[tilespmem:s5+$0x20] =	vst v0  }
0x5c: {  	[tilespmem:s5+$0x10] =	vst v0  }
0x5d: {  	[tilespmem:s5+$0x0] =	vst v0  }
0x5e: {  	[tilespmem:s5+$0xFFFFFFF0] =	vst v0  }
0x5f: {  	s8 =	simm.s32 $0x0;
	[tilespmem:s5+$0xFFFFFFE0] =	vst v0  }
.LBB2_6:
0x60: {  	s8 =	sadd.s32 $0x8, s8;
	[tilespmem:s5+$0xFFFFFFD0] =	vst v0;
	s5 =	sadd.s32 $0x80, s5  }
0x61: {  	[tilespmem:s5+$0xFFFFFFC0] =	vst v0;
	p0 =	slt.u32 s8, $0x268  }
0x62: {  	[tilespmem:s5+$0x30] =	vst v0  }
.Ltmp2:
0x63: {  	[tilespmem:s5+$0x20] =	vst v0;
	(pc) =	sbr.rel @p0 .LBB2_6-.Ltmp2, $4  }
0x64: {  	[tilespmem:s5+$0x10] =	vst v0  }
0x65: {  	[tilespmem:s5+$0x0] =	vst v0  }
0x66: {  	[tilespmem:s5+$0xFFFFFFF0] =	vst v0  }
0x67: {  	[tilespmem:s5+$0xFFFFFFE0] =	vst v0  }
0x68: {  	[tilespmem:s5+$0xFFFFFFD0] =	vst v0;
	s5 =	simm.s32 $0x0  }
.LBB2_8:
0x69: {  	p0 =	sne.s32 s5, $0x40  }
.Ltmp3:
0x6a: {  	_ = 	snop;
	(pc) =	sbr.rel @p0 .LBB2_8-.Ltmp3, $3  }
0x6b: {  	_ =	sdelay $0x1  }
0x6c: {  	s8 =	sshra.s32 s5, $0x2  }
0x6d: {  	s5 =	sadd.s32 $0x40, s5;
	[tilespmem:s8+$0x7600] =	vst v0  }
0x6e: {  	s5 =	simm.s32 $0x76C0  }
0x6f: {  	[tilespmem:s5+$0xFFFFFFC0] =	vst v0  }
0x70: {  	[tilespmem:s5+$0x30] =	vst v0  }
0x71: {  	[tilespmem:s5+$0x20] =	vst v0  }
0x72: {  	[tilespmem:s5+$0x10] =	vst v0  }
0x73: {  	[tilespmem:s5+$0x0] =	vst v0  }
0x74: {  	[tilespmem:s5+$0xFFFFFFF0] =	vst v0  }
0x75: {  	s8 =	simm.s32 $0x0;
	[tilespmem:s5+$0xFFFFFFE0] =	vst v0  }
.LBB2_10:
0x76: {  	s8 =	sadd.s32 $0x8, s8;
	[tilespmem:s5+$0xFFFFFFD0] =	vst v0;
	s5 =	sadd.s32 $0x80, s5  }
0x77: {  	[tilespmem:s5+$0xFFFFFFC0] =	vst v0;
	p0 =	slt.u32 s8, $0x268  }
0x78: {  	[tilespmem:s5+$0x30] =	vst v0  }
.Ltmp4:
0x79: {  	[tilespmem:s5+$0x20] =	vst v0;
	(pc) =	sbr.rel @p0 .LBB2_10-.Ltmp4, $4  }
0x7a: {  	[tilespmem:s5+$0x10] =	vst v0  }
0x7b: {  	[tilespmem:s5+$0x0] =	vst v0  }
0x7c: {  	[tilespmem:s5+$0xFFFFFFF0] =	vst v0  }
0x7d: {  	[tilespmem:s5+$0xFFFFFFE0] =	vst v0  }
0x7e: {  	[tilespmem:s5+$0xFFFFFFD0] =	vst v0;
	s5 =	simm.s32 $0x0  }
.LBB2_12:
0x7f: {  	p0 =	sne.s32 s5, $0x40  }
.Ltmp5:
0x80: {  	_ = 	snop;
	(pc) =	sbr.rel @p0 .LBB2_12-.Ltmp5, $3  }
0x81: {  	_ =	sdelay $0x1  }
0x82: {  	s8 =	sshra.s32 s5, $0x2  }
0x83: {  	s5 =	sadd.s32 $0x40, s5;
	[tilespmem:s8+$0x9D80] =	vst v0  }
0x84: {  	s17 =	simm.s32 $0x0  }
0x85: {  	[tilespmem:s21], [sflag:$0x1] =	stream.linear.gather [hbm4b:s3+s17], $0x2400, $0x38;
	[tilespmem:$0x16100] =	vst v63  }
0x86: {  	_ = 	snop  }
0x87: {  	[tilespmem:s22], [sflag:$0x2] =	stream.linear.gather [hbm4b:s11+s17], $0x2400, $0x38;
	[tilespmem:$0x16100] =	vst v63  }
.LBB2_14:
0x88: {  	_ =	swait.ge [sflag:s23], $0x2400  }
0x89: {  	[sflag:s23] =	ssyncset.done $0x0  }
0x8a: {  	s5 =	simm.s32 $0x11500;
	[sflag:s23] =	ssyncadd.s32 $0xFFFFDC00  }
0x8b: {  	v8 =	vld [tilespmem:s5+$0xFFFFFF90]  }
0x8c: {  	v12 =	vld [tilespmem:s5+$0x0]  }
0x8d: {  	v16 =	vld [tilespmem:s5+$0x10]  }
0x8e: {  	v3 =	vld [tilespmem:s5+$0xFFFFFF80]  }
0x8f: {  	v4 =	vld [tilespmem:s5+$0x70]  }
0x90: {  	v2 =	vld [tilespmem:s5+$0xFFFFFFC0]  }
0x91: {  	v5 =	vld [tilespmem:s5+$0xFFFFFFD0]  }
0x92: {  	v11 =	vld [tilespmem:s5+$0x40]  }
0x93: {  	v17 =	vld [tilespmem:s5+$0x30]  }
0x94: {  	v6 =	vld [tilespmem:s5+$0x60]  }
0x95: {  	v9 =	vld [tilespmem:s5+$0x50]  }
0x96: {  	v1 =	vld [tilespmem:s5+$0xFFFFFFA0];
	v7 =	vand.u32 $0xFFFF, v3  }
0x97: {  	v19 =	vld [tilespmem:s5+$0x20];
	v18 =	vand.u32 $0xFFFF, v11  }
0x98: {  	v15 =	vld [tilespmem:s5+$0xFFFFFFF0];
	v23 =	vand.u32 $0xFFFF, v17  }
0x99: {  	v21 =	vld [tilespmem:s5+$0xFFFFFFE0];
	v10 =	vand.u32 $0xFFFF, v4  }
0x9a: {  	v13 =	vand.u32 $0xFFFF, v6;
	v20 =	vshrl.u32 v3, $0x10;
	v3 =	vld [tilespmem:s5+$0xFFFFFFB0]  }
0x9b: {  	v14 =	vld.idx.msk [tilespmem:v7+s24+$0x0], $0xffff;
	v7 =	vand.u32 $0xFFFF, v9  }
0x9c: {  	v24 =	vld.idx.msk [tilespmem:v18+s24+$0x0], $0xffff;
	v18 =	vand.u32 $0xFFFF, v12  }
0x9d: {  	v26 =	vld.idx.msk [tilespmem:v23+s24+$0x0], $0xffff;
	v23 =	vand.u32 $0xFFFF, v5  }
0x9e: {  	v10 =	vld.idx.msk [tilespmem:v10+s24+$0x0], $0xffff  }
0x9f: {  	v4 =	vshrl.u32 v4, $0x10;
	v22 =	vld.idx.msk [tilespmem:v13+s24+$0x0], $0xffff  }
0xa0: {  	v25 =	vld.idx.msk [tilespmem:v7+s24+$0x0], $0xffff  }
0xa1: {  	v6 =	vshrl.u32 v6, $0x10;
	v28 =	vld.idx.msk [tilespmem:v18+s24+$0x0], $0xffff  }
0xa2: {  	v13 =	vunpack.i.l.bf16.f32 v14;
	v23 =	vld.idx.msk [tilespmem:v23+s24+$0x0], $0xffff  }
0xa3: {  	v7 =	vand.u32 $0xFFFF, v19;
	[tilespmem:v20+s25+$0x0] =	vst.idx.add.f32.msk $0xffff, v13;
	v13 =	vunpack.i.l.bf16.f32 v10  }
0xa4: {  	v10 =	vunpack.i.u.bf16.f32 v10;
	[tilespmem:v4+s25+$0x0] =	vst.idx.add.f32.msk $0xffff, v13  }
0xa5: {  	v13 =	vshrl.u32 v9, $0x10;
	v9 =	vunpack.i.l.bf16.f32 v22;
	[tilespmem:v4+s26+$0x0] =	vst.idx.add.f32.msk $0xffff, v10  }
0xa6: {  	v22 =	vunpack.i.u.bf16.f32 v22;
	v4 =	vand.u32 $0xFFFF, v15;
	[tilespmem:v6+s25+$0x0] =	vst.idx.add.f32.msk $0xffff, v9  }
0xa7: {  	v9 =	vand.u32 $0xFFFF, v16;
	[tilespmem:v6+s26+$0x0] =	vst.idx.add.f32.msk $0xffff, v22  }
0xa8: {  	v10 =	vand.u32 $0xFFFF, v21;
	v22 =	vshrl.u32 v11, $0x10;
	v11 =	vunpack.i.u.bf16.f32 v14;
	v7 =	vld.idx.msk [tilespmem:v7+s24+$0x0], $0xffff  }
0xa9: {  	v18 =	vunpack.i.l.bf16.f32 v25;
	[tilespmem:v20+s26+$0x0] =	vst.idx.add.f32.msk $0xffff, v11  }
0xaa: {  	[tilespmem:v13+s25+$0x0] =	vst.idx.add.f32.msk $0xffff, v18  }
0xab: {  	v29 =	vand.u32 $0xFFFF, v2;
	v30 =	vand.u32 $0xFFFF, v1;
	v6 =	vld.idx.msk [tilespmem:v4+s24+$0x0], $0xffff  }
0xac: {  	v14 =	vand.u32 $0xFFFF, v3;
	v11 =	vshrl.u32 v19, $0x10;
	v4 =	vshrl.u32 v15, $0x10;
	v15 =	vld.idx.msk [tilespmem:v9+s24+$0x0], $0xffff  }
0xad: {  	v19 =	vshrl.u32 v12, $0x10;
	v20 =	vunpack.i.u.bf16.f32 v24;
	v18 =	vld.idx.msk [tilespmem:v10+s24+$0x0], $0xffff;
	v9 =	vunpack.i.l.bf16.f32 v24  }
0xae: {  	v12 =	vshrl.u32 v17, $0x10;
	v27 =	vunpack.i.u.bf16.f32 v25;
	v25 =	vunpack.i.u.bf16.f32 v28;
	[tilespmem:v22+s25+$0x0] =	vst.idx.add.f32.msk $0xffff, v9  }
0xaf: {  	v17 =	vunpack.i.u.bf16.f32 v26;
	v10 =	vshrl.u32 v5, $0x10;
	v5 =	vshrl.u32 v8, $0x10;
	[tilespmem:v22+s26+$0x0] =	vst.idx.add.f32.msk $0xffff, v20  }
0xb0: {  	v24 =	vunpack.i.l.bf16.f32 v28;
	v9 =	vand.u32 $0xFFFF, v8;
	v8 =	vshrl.u32 v16, $0x10;
	v20 =	vld.idx.msk [tilespmem:v29+s24+$0x0], $0xffff  }
0xb1: {  	s8 =	simm.s32 $0x0;
	v16 =	vunpack.i.l.bf16.f32 v26;
	v22 =	vshrl.u32 v21, $0x10;
	v21 =	vld.idx.msk [tilespmem:v30+s24+$0x0], $0xffff;
	v26 =	vunpack.i.l.bf16.f32 v15  }
.LBB2_15:
0xb2: {  	s8 =	sadd.s32 $0x10, s8;
	[tilespmem:v13+s26+$0x0] =	vst.idx.add.f32.msk $0xffff, v27;
	s5 =	sadd.s32 $0x100, s5  }
0xb3: {  	v13 =	vunpack.i.l.bf16.f32 v18;
	v15 =	vunpack.i.u.bf16.f32 v15;
	p0 =	slt.u32 s8, $0x230;
	[tilespmem:v19+s25+$0x0] =	vst.idx.add.f32.msk $0xffff, v24  }
0xb4: {  	v18 =	vunpack.i.u.bf16.f32 v18;
	v24 =	vunpack.i.l.bf16.f32 v6;
	[tilespmem:v19+s26+$0x0] =	vst.idx.add.f32.msk $0xffff, v25  }
0xb5: {  	v19 =	vunpack.i.l.bf16.f32 v23;
	[tilespmem:v4+s25+$0x0] =	vst.idx.add.f32.msk $0xffff, v24  }
0xb6: {  	v23 =	vunpack.i.u.bf16.f32 v23;
	[tilespmem:v8+s25+$0x0] =	vst.idx.add.f32.msk $0xffff, v26  }
0xb7: {  	v2 =	vshrl.u32 v2, $0x10;
	v24 =	vunpack.i.l.bf16.f32 v21;
	v14 =	vld.idx.msk [tilespmem:v14+s24+$0x0], $0xffff  }
0xb8: {  	v25 =	vunpack.i.l.bf16.f32 v20;
	v21 =	vunpack.i.u.bf16.f32 v21;
	[tilespmem:v10+s25+$0x0] =	vst.idx.add.f32.msk $0xffff, v19  }
0xb9: {  	[tilespmem:v22+s25+$0x0] =	vst.idx.add.f32.msk $0xffff, v13  }
0xba: {  	v13 =	vunpack.i.u.bf16.f32 v20;
	[tilespmem:v22+s26+$0x0] =	vst.idx.add.f32.msk $0xffff, v18  }
0xbb: {  	[tilespmem:v10+s26+$0x0] =	vst.idx.add.f32.msk $0xffff, v23  }
0xbc: {  	v10 =	vunpack.i.l.bf16.f32 v7;
	[tilespmem:v2+s25+$0x0] =	vst.idx.add.f32.msk $0xffff, v25  }
0xbd: {  	v7 =	vunpack.i.u.bf16.f32 v7;
	[tilespmem:v11+s25+$0x0] =	vst.idx.add.f32.msk $0xffff, v10  }
0xbe: {  	v1 =	vshrl.u32 v1, $0x10;
	[tilespmem:v11+s26+$0x0] =	vst.idx.add.f32.msk $0xffff, v7  }
0xbf: {  	v3 =	vshrl.u32 v3, $0x10;
	v7 =	vunpack.i.l.bf16.f32 v14;
	[tilespmem:v12+s25+$0x0] =	vst.idx.add.f32.msk $0xffff, v16  }
0xc0: {  	[tilespmem:v2+s26+$0x0] =	vst.idx.add.f32.msk $0xffff, v13  }
0xc1: {  	[tilespmem:v12+s26+$0x0] =	vst.idx.add.f32.msk $0xffff, v17  }
0xc2: {  	v2 =	vld.idx.msk [tilespmem:v9+s24+$0x0], $0xffff;
	v9 =	vunpack.i.u.bf16.f32 v14  }
0xc3: {  	[tilespmem:v1+s25+$0x0] =	vst.idx.add.f32.msk $0xffff, v24  }
0xc4: {  	v6 =	vunpack.i.u.bf16.f32 v6;
	[tilespmem:v3+s25+$0x0] =	vst.idx.add.f32.msk $0xffff, v7  }
0xc5: {  	[tilespmem:v4+s26+$0x0] =	vst.idx.add.f32.msk $0xffff, v6  }
0xc6: {  	[tilespmem:v1+s26+$0x0] =	vst.idx.add.f32.msk $0xffff, v21  }
0xc7: {  	[tilespmem:v3+s26+$0x0] =	vst.idx.add.f32.msk $0xffff, v9  }
0xc8: {  	v1 =	vunpack.i.u.bf16.f32 v2;
	v2 =	vunpack.i.l.bf16.f32 v2;
	[tilespmem:v8+s26+$0x0] =	vst.idx.add.f32.msk $0xffff, v15  }
0xc9: {  	[tilespmem:v5+s25+$0x0] =	vst.idx.add.f32.msk $0xffff, v2  }
0xca: {  	[tilespmem:v5+s26+$0x0] =	vst.idx.add.f32.msk $0xffff, v1  }
0xcb: {  	v6 =	vld [tilespmem:s5+$0xFFFFFF90]  }
0xcc: {  	v8 =	vld [tilespmem:s5+$0x0]  }
0xcd: {  	v16 =	vld [tilespmem:s5+$0x10]  }
0xce: {  	v3 =	vld [tilespmem:s5+$0xFFFFFF80]  }
0xcf: {  	v4 =	vld [tilespmem:s5+$0x70]  }
0xd0: {  	v2 =	vld [tilespmem:s5+$0xFFFFFFC0]  }
0xd1: {  	v5 =	vld [tilespmem:s5+$0xFFFFFFD0]  }
0xd2: {  	v7 =	vld [tilespmem:s5+$0x60]  }
0xd3: {  	v9 =	vand.u32 $0xFFFF, v3;
	v11 =	vld [tilespmem:s5+$0x50]  }
0xd4: {  	v1 =	vld [tilespmem:s5+$0xFFFFFFA0];
	v10 =	vand.u32 $0xFFFF, v4  }
0xd5: {  	v12 =	vld [tilespmem:s5+$0x40]  }
0xd6: {  	v15 =	vld [tilespmem:s5+$0x30]  }
0xd7: {  	v17 =	vld [tilespmem:s5+$0x20];
	v13 =	vand.u32 $0xFFFF, v7  }
0xd8: {  	v18 =	vld.idx.msk [tilespmem:v9+s24+$0x0], $0xffff;
	v9 =	vand.u32 $0xFFFF, v11  }
0xd9: {  	v10 =	vld.idx.msk [tilespmem:v10+s24+$0x0], $0xffff  }
0xda: {  	v20 =	vshrl.u32 v3, $0x10;
	v14 =	vld [tilespmem:s5+$0xFFFFFFF0];
	v19 =	vand.u32 $0xFFFF, v12  }
0xdb: {  	v22 =	vshrl.u32 v4, $0x10;
	v21 =	vld [tilespmem:s5+$0xFFFFFFE0]  }
0xdc: {  	v23 =	vand.u32 $0xFFFF, v17;
	v24 =	vld.idx.msk [tilespmem:v13+s24+$0x0], $0xffff  }
0xdd: {  	v25 =	vand.u32 $0xFFFF, v16;
	v26 =	vand.u32 $0xFFFF, v15;
	v27 =	vld.idx.msk [tilespmem:v9+s24+$0x0], $0xffff  }
0xde: {  	v28 =	vand.u32 $0xFFFF, v8;
	v29 =	vshrl.u32 v7, $0x10;
	v4 =	vunpack.i.l.bf16.f32 v18;
	v3 =	vld [tilespmem:s5+$0xFFFFFFB0]  }
0xdf: {  	v7 =	vunpack.i.l.bf16.f32 v10;
	[tilespmem:v20+s25+$0x0] =	vst.idx.add.f32.msk $0xffff, v4;
	v4 =	vshrl.u32 v14, $0x10;
	v30 =	vand.u32 $0xFFFF, v14  }
0xe0: {  	v9 =	vunpack.i.u.bf16.f32 v10;
	v31 =	vand.u32 $0xFFFF, v21;
	v32 =	vld.idx.msk [tilespmem:v19+s24+$0x0], $0xffff  }
0xe1: {  	v33 =	vand.u32 $0xFFFF, v5;
	v13 =	vshrl.u32 v11, $0x10;
	v10 =	vshrl.u32 v5, $0x10;
	[tilespmem:v22+s25+$0x0] =	vst.idx.add.f32.msk $0xffff, v7  }
0xe2: {  	v34 =	vand.u32 $0xFFFF, v2;
	v35 =	vshrl.u32 v12, $0x10;
	v36 =	vunpack.i.u.bf16.f32 v24;
	[tilespmem:v22+s26+$0x0] =	vst.idx.add.f32.msk $0xffff, v9  }
0xe3: {  	v11 =	vshrl.u32 v17, $0x10;
	v12 =	vunpack.i.l.bf16.f32 v24;
	v14 =	vand.u32 $0xFFFF, v3;
	v7 =	vld.idx.msk [tilespmem:v23+s24+$0x0], $0xffff  }
0xe4: {  	v37 =	vand.u32 $0xFFFF, v1;
	v22 =	vunpack.i.l.bf16.f32 v27;
	v17 =	vld.idx.msk [tilespmem:v26+s24+$0x0], $0xffff  }
0xe5: {  	v5 =	vshrl.u32 v6, $0x10;
	v9 =	vand.u32 $0xFFFF, v6;
	[tilespmem:v29+s25+$0x0] =	vst.idx.add.f32.msk $0xffff, v12  }
0xe6: {  	v19 =	vshrl.u32 v8, $0x10;
	v26 =	vld.idx.msk [tilespmem:v28+s24+$0x0], $0xffff  }
0xe7: {  	v12 =	vshrl.u32 v15, $0x10;
	[tilespmem:v29+s26+$0x0] =	vst.idx.add.f32.msk $0xffff, v36  }
0xe8: {  	[tilespmem:v13+s25+$0x0] =	vst.idx.add.f32.msk $0xffff, v22  }
0xe9: {  	v6 =	vld.idx.msk [tilespmem:v30+s24+$0x0], $0xffff  }
0xea: {  	v8 =	vunpack.i.u.bf16.f32 v18;
	v18 =	vld.idx.msk [tilespmem:v31+s24+$0x0], $0xffff  }
0xeb: {  	v22 =	vunpack.i.l.bf16.f32 v32;
	v15 =	vld.idx.msk [tilespmem:v25+s24+$0x0], $0xffff  }
0xec: {  	[tilespmem:v20+s26+$0x0] =	vst.idx.add.f32.msk $0xffff, v8;
	v8 =	vshrl.u32 v16, $0x10;
	v20 =	vunpack.i.u.bf16.f32 v32  }
.Ltmp6:
0xed: {  	[tilespmem:v35+s25+$0x0] =	vst.idx.add.f32.msk $0xffff, v22;
	(pc) =	sbr.rel @p0 .LBB2_15-.Ltmp6, $4  }
0xee: {  	v27 =	vunpack.i.u.bf16.f32 v27;
	v24 =	vunpack.i.l.bf16.f32 v26;
	v16 =	vunpack.i.l.bf16.f32 v17;
	v23 =	vld.idx.msk [tilespmem:v33+s24+$0x0], $0xffff  }
0xef: {  	v25 =	vunpack.i.u.bf16.f32 v26;
	v17 =	vunpack.i.u.bf16.f32 v17;
	v22 =	vshrl.u32 v21, $0x10;
	[tilespmem:v35+s26+$0x0] =	vst.idx.add.f32.msk $0xffff, v20  }
0xf0: {  	v20 =	vld.idx.msk [tilespmem:v34+s24+$0x0], $0xffff  }
0xf1: {  	v26 =	vunpack.i.l.bf16.f32 v15;
	v21 =	vld.idx.msk [tilespmem:v37+s24+$0x0], $0xffff  }
0xf2: {  	_ =	sdelay $0x3  }
0xf3: {  	[tilespmem:v13+s26+$0x0] =	vst.idx.add.f32.msk $0xffff, v27  }
0xf4: {  	[tilespmem:v19+s25+$0x0] =	vst.idx.add.f32.msk $0xffff, v24  }
0xf5: {  	[tilespmem:v8+s25+$0x0] =	vst.idx.add.f32.msk $0xffff, v26  }
0xf6: {  	v14 =	vld.idx.msk [tilespmem:v14+s24+$0x0], $0xffff  }
0xf7: {  	[tilespmem:v12+s25+$0x0] =	vst.idx.add.f32.msk $0xffff, v16  }
0xf8: {  	v13 =	vunpack.i.l.bf16.f32 v6;
	[tilespmem:v19+s26+$0x0] =	vst.idx.add.f32.msk $0xffff, v25  }
0xf9: {  	[tilespmem:v4+s25+$0x0] =	vst.idx.add.f32.msk $0xffff, v13  }
0xfa: {  	v13 =	vunpack.i.l.bf16.f32 v23;
	[tilespmem:v12+s26+$0x0] =	vst.idx.add.f32.msk $0xffff, v17  }
0xfb: {  	v2 =	vshrl.u32 v2, $0x10;
	v19 =	vunpack.i.l.bf16.f32 v18;
	[tilespmem:v10+s25+$0x0] =	vst.idx.add.f32.msk $0xffff, v13  }
0xfc: {  	v13 =	vunpack.i.u.bf16.f32 v18;
	[tilespmem:v22+s25+$0x0] =	vst.idx.add.f32.msk $0xffff, v19  }
0xfd: {  	v18 =	vunpack.i.u.bf16.f32 v23;
	[tilespmem:v22+s26+$0x0] =	vst.idx.add.f32.msk $0xffff, v13  }
0xfe: {  	[tilespmem:v10+s26+$0x0] =	vst.idx.add.f32.msk $0xffff, v18;
	v10 =	vunpack.i.l.bf16.f32 v7  }
0xff: {  	v1 =	vshrl.u32 v1, $0x10;
	v13 =	vunpack.i.l.bf16.f32 v20;
	[tilespmem:v11+s25+$0x0] =	vst.idx.add.f32.msk $0xffff, v10  }
0x100: {  	v3 =	vshrl.u32 v3, $0x10;
	v7 =	vunpack.i.u.bf16.f32 v7;
	[tilespmem:v2+s25+$0x0] =	vst.idx.add.f32.msk $0xffff, v13  }
0x101: {  	[tilespmem:v11+s26+$0x0] =	vst.idx.add.f32.msk $0xffff, v7;
	v7 =	vunpack.i.u.bf16.f32 v20  }
0x102: {  	[tilespmem:v2+s26+$0x0] =	vst.idx.add.f32.msk $0xffff, v7  }
0x103: {  	v2 =	vunpack.i.l.bf16.f32 v21;
	v7 =	vld.idx.msk [tilespmem:v9+s24+$0x0], $0xffff  }
0x104: {  	v9 =	vunpack.i.l.bf16.f32 v14;
	[tilespmem:v1+s25+$0x0] =	vst.idx.add.f32.msk $0xffff, v2  }
0x105: {  	[tilespmem:v3+s25+$0x0] =	vst.idx.add.f32.msk $0xffff, v9;
	v2 =	vunpack.i.u.bf16.f32 v6  }
0x106: {  	p0 =	seq.s32 s17, $0x13;
	v6 =	vunpack.i.u.bf16.f32 v21;
	[tilespmem:v4+s26+$0x0] =	vst.idx.add.f32.msk $0xffff, v2  }
0x107: {  	s5 =	smul.u32 @!p0 $0x4800, s17;
	v2 =	vunpack.i.u.bf16.f32 v14;
	[tilespmem:v1+s26+$0x0] =	vst.idx.add.f32.msk $0xffff, v6  }
0x108: {  	v1 =	vunpack.i.u.bf16.f32 v15;
	[tilespmem:v3+s26+$0x0] =	vst.idx.add.f32.msk $0xffff, v2  }
0x109: {  	s5 =	sshrl.u32 @!p0 s5, $0x3;
	[tilespmem:v8+s26+$0x0] =	vst.idx.add.f32.msk $0xffff, v1;
	v2 =	vunpack.i.l.bf16.f32 v7  }
0x10a: {  	s5 =	sadd.s32 @!p0 s3, s5;
	v1 =	vunpack.i.u.bf16.f32 v7;
	[tilespmem:v5+s25+$0x0] =	vst.idx.add.f32.msk $0xffff, v2  }
0x10b: {  	s8 =	simm.s32 @!p0 $0x0;
	s9 =	simm.s32 @!p0 $0x11480;
	s5 =	sadd.s32 @!p0 $0x900, s5;
	[tilespmem:v5+s26+$0x0] =	vst.idx.add.f32.msk $0xffff, v1  }
0x10c: {  	[tilespmem:s9], [sflag:$0x1] =	stream.linear.gather @!p0 [hbm4b:s5+s8], $0x2400, $0x38;
	[tilespmem:$0x16100] =	vst v63  }
0x10d: {  	_ =	swait.ge [sflag:s28], $0x2400  }
0x10e: {  	[sflag:s28] =	ssyncset.done $0x0  }
0x10f: {  	s5 =	simm.s32 $0x13900;
	[sflag:s28] =	ssyncadd.s32 $0xFFFFDC00  }
0x110: {  	v8 =	vld [tilespmem:s5+$0xFFFFFF90]  }
0x111: {  	v12 =	vld [tilespmem:s5+$0x0]  }
0x112: {  	v16 =	vld [tilespmem:s5+$0x10]  }
0x113: {  	v3 =	vld [tilespmem:s5+$0xFFFFFF80]  }
0x114: {  	v4 =	vld [tilespmem:s5+$0x70]  }
0x115: {  	v2 =	vld [tilespmem:s5+$0xFFFFFFC0]  }
0x116: {  	v5 =	vld [tilespmem:s5+$0xFFFFFFD0]  }
0x117: {  	v11 =	vld [tilespmem:s5+$0x40]  }
0x118: {  	v17 =	vld [tilespmem:s5+$0x30]  }
0x119: {  	v6 =	vld [tilespmem:s5+$0x60]  }
0x11a: {  	v9 =	vld [tilespmem:s5+$0x50]  }
0x11b: {  	v1 =	vld [tilespmem:s5+$0xFFFFFFA0];
	v7 =	vand.u32 $0xFFFF, v3  }
0x11c: {  	v19 =	vld [tilespmem:s5+$0x20];
	v18 =	vand.u32 $0xFFFF, v11  }
0x11d: {  	v15 =	vld [tilespmem:s5+$0xFFFFFFF0];
	v23 =	vand.u32 $0xFFFF, v17  }
0x11e: {  	v21 =	vld [tilespmem:s5+$0xFFFFFFE0];
	v10 =	vand.u32 $0xFFFF, v4  }
0x11f: {  	v13 =	vand.u32 $0xFFFF, v6;
	v20 =	vshrl.u32 v3, $0x10;
	v3 =	vld [tilespmem:s5+$0xFFFFFFB0]  }
0x120: {  	v14 =	vld.idx.msk [tilespmem:v7+s24+$0x0], $0xffff;
	v7 =	vand.u32 $0xFFFF, v9  }
0x121: {  	v24 =	vld.idx.msk [tilespmem:v18+s24+$0x0], $0xffff;
	v18 =	vand.u32 $0xFFFF, v12  }
0x122: {  	v26 =	vld.idx.msk [tilespmem:v23+s24+$0x0], $0xffff;
	v23 =	vand.u32 $0xFFFF, v5  }
0x123: {  	v10 =	vld.idx.msk [tilespmem:v10+s24+$0x0], $0xffff  }
0x124: {  	v4 =	vshrl.u32 v4, $0x10;
	v22 =	vld.idx.msk [tilespmem:v13+s24+$0x0], $0xffff  }
0x125: {  	v25 =	vld.idx.msk [tilespmem:v7+s24+$0x0], $0xffff  }
0x126: {  	v6 =	vshrl.u32 v6, $0x10;
	v28 =	vld.idx.msk [tilespmem:v18+s24+$0x0], $0xffff  }
0x127: {  	v13 =	vunpack.i.l.bf16.f32 v14;
	v23 =	vld.idx.msk [tilespmem:v23+s24+$0x0], $0xffff  }
0x128: {  	v7 =	vand.u32 $0xFFFF, v19;
	[tilespmem:v20+s25+$0x0] =	vst.idx.add.f32.msk $0xffff, v13;
	v13 =	vunpack.i.l.bf16.f32 v10  }
0x129: {  	v10 =	vunpack.i.u.bf16.f32 v10;
	[tilespmem:v4+s25+$0x0] =	vst.idx.add.f32.msk $0xffff, v13  }
0x12a: {  	v13 =	vshrl.u32 v9, $0x10;
	v9 =	vunpack.i.l.bf16.f32 v22;
	[tilespmem:v4+s26+$0x0] =	vst.idx.add.f32.msk $0xffff, v10  }
0x12b: {  	v22 =	vunpack.i.u.bf16.f32 v22;
	v4 =	vand.u32 $0xFFFF, v15;
	[tilespmem:v6+s25+$0x0] =	vst.idx.add.f32.msk $0xffff, v9  }
0x12c: {  	v9 =	vand.u32 $0xFFFF, v16;
	[tilespmem:v6+s26+$0x0] =	vst.idx.add.f32.msk $0xffff, v22  }
0x12d: {  	v10 =	vand.u32 $0xFFFF, v21;
	v22 =	vshrl.u32 v11, $0x10;
	v11 =	vunpack.i.u.bf16.f32 v14;
	v7 =	vld.idx.msk [tilespmem:v7+s24+$0x0], $0xffff  }
0x12e: {  	v18 =	vunpack.i.l.bf16.f32 v25;
	[tilespmem:v20+s26+$0x0] =	vst.idx.add.f32.msk $0xffff, v11  }
0x12f: {  	[tilespmem:v13+s25+$0x0] =	vst.idx.add.f32.msk $0xffff, v18  }
0x130: {  	v29 =	vand.u32 $0xFFFF, v2;
	v30 =	vand.u32 $0xFFFF, v1;
	v6 =	vld.idx.msk [tilespmem:v4+s24+$0x0], $0xffff  }
0x131: {  	v14 =	vand.u32 $0xFFFF, v3;
	v11 =	vshrl.u32 v19, $0x10;
	v4 =	vshrl.u32 v15, $0x10;
	v15 =	vld.idx.msk [tilespmem:v9+s24+$0x0], $0xffff  }
0x132: {  	v19 =	vshrl.u32 v12, $0x10;
	v20 =	vunpack.i.u.bf16.f32 v24;
	v18 =	vld.idx.msk [tilespmem:v10+s24+$0x0], $0xffff;
	v9 =	vunpack.i.l.bf16.f32 v24  }
0x133: {  	v12 =	vshrl.u32 v17, $0x10;
	v27 =	vunpack.i.u.bf16.f32 v25;
	v25 =	vunpack.i.u.bf16.f32 v28;
	[tilespmem:v22+s25+$0x0] =	vst.idx.add.f32.msk $0xffff, v9  }
0x134: {  	v17 =	vunpack.i.u.bf16.f32 v26;
	v10 =	vshrl.u32 v5, $0x10;
	v5 =	vshrl.u32 v8, $0x10;
	[tilespmem:v22+s26+$0x0] =	vst.idx.add.f32.msk $0xffff, v20  }
0x135: {  	v24 =	vunpack.i.l.bf16.f32 v28;
	v9 =	vand.u32 $0xFFFF, v8;
	v8 =	vshrl.u32 v16, $0x10;
	v20 =	vld.idx.msk [tilespmem:v29+s24+$0x0], $0xffff  }
0x136: {  	s8 =	simm.s32 $0x0;
	v16 =	vunpack.i.l.bf16.f32 v26;
	v22 =	vshrl.u32 v21, $0x10;
	v21 =	vld.idx.msk [tilespmem:v30+s24+$0x0], $0xffff;
	v26 =	vunpack.i.l.bf16.f32 v15  }
.LBB2_17:
0x137: {  	s8 =	sadd.s32 $0x10, s8;
	[tilespmem:v13+s26+$0x0] =	vst.idx.add.f32.msk $0xffff, v27;
	s5 =	sadd.s32 $0x100, s5  }
0x138: {  	v13 =	vunpack.i.l.bf16.f32 v18;
	v15 =	vunpack.i.u.bf16.f32 v15;
	p1 =	slt.u32 s8, $0x230;
	[tilespmem:v19+s25+$0x0] =	vst.idx.add.f32.msk $0xffff, v24  }
0x139: {  	v18 =	vunpack.i.u.bf16.f32 v18;
	v24 =	vunpack.i.l.bf16.f32 v6;
	[tilespmem:v19+s26+$0x0] =	vst.idx.add.f32.msk $0xffff, v25  }
0x13a: {  	v19 =	vunpack.i.l.bf16.f32 v23;
	[tilespmem:v4+s25+$0x0] =	vst.idx.add.f32.msk $0xffff, v24  }
0x13b: {  	v23 =	vunpack.i.u.bf16.f32 v23;
	[tilespmem:v8+s25+$0x0] =	vst.idx.add.f32.msk $0xffff, v26  }
0x13c: {  	v2 =	vshrl.u32 v2, $0x10;
	v24 =	vunpack.i.l.bf16.f32 v21;
	v14 =	vld.idx.msk [tilespmem:v14+s24+$0x0], $0xffff  }
0x13d: {  	v25 =	vunpack.i.l.bf16.f32 v20;
	v21 =	vunpack.i.u.bf16.f32 v21;
	[tilespmem:v10+s25+$0x0] =	vst.idx.add.f32.msk $0xffff, v19  }
0x13e: {  	[tilespmem:v22+s25+$0x0] =	vst.idx.add.f32.msk $0xffff, v13  }
0x13f: {  	v13 =	vunpack.i.u.bf16.f32 v20;
	[tilespmem:v22+s26+$0x0] =	vst.idx.add.f32.msk $0xffff, v18  }
0x140: {  	[tilespmem:v10+s26+$0x0] =	vst.idx.add.f32.msk $0xffff, v23  }
0x141: {  	v10 =	vunpack.i.l.bf16.f32 v7;
	[tilespmem:v2+s25+$0x0] =	vst.idx.add.f32.msk $0xffff, v25  }
0x142: {  	v7 =	vunpack.i.u.bf16.f32 v7;
	[tilespmem:v11+s25+$0x0] =	vst.idx.add.f32.msk $0xffff, v10  }
0x143: {  	v1 =	vshrl.u32 v1, $0x10;
	[tilespmem:v11+s26+$0x0] =	vst.idx.add.f32.msk $0xffff, v7  }
0x144: {  	v3 =	vshrl.u32 v3, $0x10;
	v7 =	vunpack.i.l.bf16.f32 v14;
	[tilespmem:v12+s25+$0x0] =	vst.idx.add.f32.msk $0xffff, v16  }
0x145: {  	[tilespmem:v2+s26+$0x0] =	vst.idx.add.f32.msk $0xffff, v13  }
0x146: {  	[tilespmem:v12+s26+$0x0] =	vst.idx.add.f32.msk $0xffff, v17  }
0x147: {  	v2 =	vld.idx.msk [tilespmem:v9+s24+$0x0], $0xffff;
	v9 =	vunpack.i.u.bf16.f32 v14  }
0x148: {  	[tilespmem:v1+s25+$0x0] =	vst.idx.add.f32.msk $0xffff, v24  }
0x149: {  	v6 =	vunpack.i.u.bf16.f32 v6;
	[tilespmem:v3+s25+$0x0] =	vst.idx.add.f32.msk $0xffff, v7  }
0x14a: {  	[tilespmem:v4+s26+$0x0] =	vst.idx.add.f32.msk $0xffff, v6  }
0x14b: {  	[tilespmem:v1+s26+$0x0] =	vst.idx.add.f32.msk $0xffff, v21  }
0x14c: {  	[tilespmem:v3+s26+$0x0] =	vst.idx.add.f32.msk $0xffff, v9  }
0x14d: {  	v1 =	vunpack.i.u.bf16.f32 v2;
	v2 =	vunpack.i.l.bf16.f32 v2;
	[tilespmem:v8+s26+$0x0] =	vst.idx.add.f32.msk $0xffff, v15  }
0x14e: {  	[tilespmem:v5+s25+$0x0] =	vst.idx.add.f32.msk $0xffff, v2  }
0x14f: {  	[tilespmem:v5+s26+$0x0] =	vst.idx.add.f32.msk $0xffff, v1  }
0x150: {  	v6 =	vld [tilespmem:s5+$0xFFFFFF90]  }
0x151: {  	v8 =	vld [tilespmem:s5+$0x0]  }
0x152: {  	v16 =	vld [tilespmem:s5+$0x10]  }
0x153: {  	v3 =	vld [tilespmem:s5+$0xFFFFFF80]  }
0x154: {  	v4 =	vld [tilespmem:s5+$0x70]  }
0x155: {  	v2 =	vld [tilespmem:s5+$0xFFFFFFC0]  }
0x156: {  	v5 =	vld [tilespmem:s5+$0xFFFFFFD0]  }
0x157: {  	v7 =	vld [tilespmem:s5+$0x60]  }
0x158: {  	v9 =	vand.u32 $0xFFFF, v3;
	v11 =	vld [tilespmem:s5+$0x50]  }
0x159: {  	v1 =	vld [tilespmem:s5+$0xFFFFFFA0];
	v10 =	vand.u32 $0xFFFF, v4  }
0x15a: {  	v12 =	vld [tilespmem:s5+$0x40]  }
0x15b: {  	v15 =	vld [tilespmem:s5+$0x30]  }
0x15c: {  	v17 =	vld [tilespmem:s5+$0x20];
	v13 =	vand.u32 $0xFFFF, v7  }
0x15d: {  	v18 =	vld.idx.msk [tilespmem:v9+s24+$0x0], $0xffff;
	v9 =	vand.u32 $0xFFFF, v11  }
0x15e: {  	v10 =	vld.idx.msk [tilespmem:v10+s24+$0x0], $0xffff  }
0x15f: {  	v20 =	vshrl.u32 v3, $0x10;
	v14 =	vld [tilespmem:s5+$0xFFFFFFF0];
	v19 =	vand.u32 $0xFFFF, v12  }
0x160: {  	v22 =	vshrl.u32 v4, $0x10;
	v21 =	vld [tilespmem:s5+$0xFFFFFFE0]  }
0x161: {  	v23 =	vand.u32 $0xFFFF, v17;
	v24 =	vld.idx.msk [tilespmem:v13+s24+$0x0], $0xffff  }
0x162: {  	v25 =	vand.u32 $0xFFFF, v16;
	v26 =	vand.u32 $0xFFFF, v15;
	v27 =	vld.idx.msk [tilespmem:v9+s24+$0x0], $0xffff  }
0x163: {  	v28 =	vand.u32 $0xFFFF, v8;
	v29 =	vshrl.u32 v7, $0x10;
	v4 =	vunpack.i.l.bf16.f32 v18;
	v3 =	vld [tilespmem:s5+$0xFFFFFFB0]  }
0x164: {  	v7 =	vunpack.i.l.bf16.f32 v10;
	[tilespmem:v20+s25+$0x0] =	vst.idx.add.f32.msk $0xffff, v4;
	v4 =	vshrl.u32 v14, $0x10;
	v30 =	vand.u32 $0xFFFF, v14  }
0x165: {  	v9 =	vunpack.i.u.bf16.f32 v10;
	v31 =	vand.u32 $0xFFFF, v21;
	v32 =	vld.idx.msk [tilespmem:v19+s24+$0x0], $0xffff  }
0x166: {  	v33 =	vand.u32 $0xFFFF, v5;
	v13 =	vshrl.u32 v11, $0x10;
	v10 =	vshrl.u32 v5, $0x10;
	[tilespmem:v22+s25+$0x0] =	vst.idx.add.f32.msk $0xffff, v7  }
0x167: {  	v34 =	vand.u32 $0xFFFF, v2;
	v35 =	vshrl.u32 v12, $0x10;
	v36 =	vunpack.i.u.bf16.f32 v24;
	[tilespmem:v22+s26+$0x0] =	vst.idx.add.f32.msk $0xffff, v9  }
0x168: {  	v11 =	vshrl.u32 v17, $0x10;
	v12 =	vunpack.i.l.bf16.f32 v24;
	v14 =	vand.u32 $0xFFFF, v3;
	v7 =	vld.idx.msk [tilespmem:v23+s24+$0x0], $0xffff  }
0x169: {  	v37 =	vand.u32 $0xFFFF, v1;
	v22 =	vunpack.i.l.bf16.f32 v27;
	v17 =	vld.idx.msk [tilespmem:v26+s24+$0x0], $0xffff  }
0x16a: {  	v5 =	vshrl.u32 v6, $0x10;
	v9 =	vand.u32 $0xFFFF, v6;
	[tilespmem:v29+s25+$0x0] =	vst.idx.add.f32.msk $0xffff, v12  }
0x16b: {  	v19 =	vshrl.u32 v8, $0x10;
	v26 =	vld.idx.msk [tilespmem:v28+s24+$0x0], $0xffff  }
0x16c: {  	v12 =	vshrl.u32 v15, $0x10;
	[tilespmem:v29+s26+$0x0] =	vst.idx.add.f32.msk $0xffff, v36  }
0x16d: {  	[tilespmem:v13+s25+$0x0] =	vst.idx.add.f32.msk $0xffff, v22  }
0x16e: {  	v6 =	vld.idx.msk [tilespmem:v30+s24+$0x0], $0xffff  }
0x16f: {  	v8 =	vunpack.i.u.bf16.f32 v18;
	v18 =	vld.idx.msk [tilespmem:v31+s24+$0x0], $0xffff  }
0x170: {  	v22 =	vunpack.i.l.bf16.f32 v32;
	v15 =	vld.idx.msk [tilespmem:v25+s24+$0x0], $0xffff  }
0x171: {  	[tilespmem:v20+s26+$0x0] =	vst.idx.add.f32.msk $0xffff, v8;
	v8 =	vshrl.u32 v16, $0x10;
	v20 =	vunpack.i.u.bf16.f32 v32  }
.Ltmp7:
0x172: {  	[tilespmem:v35+s25+$0x0] =	vst.idx.add.f32.msk $0xffff, v22;
	(pc) =	sbr.rel @p1 .LBB2_17-.Ltmp7, $4  }
0x173: {  	v27 =	vunpack.i.u.bf16.f32 v27;
	v24 =	vunpack.i.l.bf16.f32 v26;
	v16 =	vunpack.i.l.bf16.f32 v17;
	v23 =	vld.idx.msk [tilespmem:v33+s24+$0x0], $0xffff  }
0x174: {  	v25 =	vunpack.i.u.bf16.f32 v26;
	v17 =	vunpack.i.u.bf16.f32 v17;
	v22 =	vshrl.u32 v21, $0x10;
	[tilespmem:v35+s26+$0x0] =	vst.idx.add.f32.msk $0xffff, v20  }
0x175: {  	v20 =	vld.idx.msk [tilespmem:v34+s24+$0x0], $0xffff  }
0x176: {  	v26 =	vunpack.i.l.bf16.f32 v15;
	v21 =	vld.idx.msk [tilespmem:v37+s24+$0x0], $0xffff  }
0x177: {  	_ =	sdelay $0x3  }
0x178: {  	[tilespmem:v13+s26+$0x0] =	vst.idx.add.f32.msk $0xffff, v27  }
0x179: {  	[tilespmem:v19+s25+$0x0] =	vst.idx.add.f32.msk $0xffff, v24  }
0x17a: {  	[tilespmem:v8+s25+$0x0] =	vst.idx.add.f32.msk $0xffff, v26  }
0x17b: {  	v14 =	vld.idx.msk [tilespmem:v14+s24+$0x0], $0xffff  }
0x17c: {  	[tilespmem:v12+s25+$0x0] =	vst.idx.add.f32.msk $0xffff, v16  }
0x17d: {  	v61 =	vld.idx.msk [tilespmem:v9+s24+$0x0], $0xffff  }
0x17e: {  	v52 =	vunpack.i.l.bf16.f32 v6;
	[tilespmem:v19+s26+$0x0] =	vst.idx.add.f32.msk $0xffff, v25  }
0x17f: {  	v54 =	vunpack.i.l.bf16.f32 v18;
	[tilespmem:v4+s25+$0x0] =	vst.idx.add.f32.msk $0xffff, v52  }
0x180: {  	v58 =	vunpack.i.l.bf16.f32 v7;
	[tilespmem:v22+s25+$0x0] =	vst.idx.add.f32.msk $0xffff, v54  }
0x181: {  	[tilespmem:v11+s25+$0x0] =	vst.idx.add.f32.msk $0xffff, v58  }
0x182: {  	v2 =	vshrl.u32 v2, $0x10;
	v53 =	vunpack.i.l.bf16.f32 v23;
	[tilespmem:v12+s26+$0x0] =	vst.idx.add.f32.msk $0xffff, v17  }
0x183: {  	v55 =	vunpack.i.u.bf16.f32 v18;
	[tilespmem:v10+s25+$0x0] =	vst.idx.add.f32.msk $0xffff, v53  }
0x184: {  	v59 =	vunpack.i.u.bf16.f32 v7;
	v3 =	vshrl.u32 v3, $0x10;
	[tilespmem:v22+s26+$0x0] =	vst.idx.add.f32.msk $0xffff, v55  }
0x185: {  	v1 =	vshrl.u32 v1, $0x10;
	v56 =	vunpack.i.u.bf16.f32 v23;
	[tilespmem:v11+s26+$0x0] =	vst.idx.add.f32.msk $0xffff, v59  }
0x186: {  	v57 =	vunpack.i.l.bf16.f32 v20;
	[tilespmem:v10+s26+$0x0] =	vst.idx.add.f32.msk $0xffff, v56  }
0x187: {  	v60 =	vunpack.i.u.bf16.f32 v20;
	[tilespmem:v2+s25+$0x0] =	vst.idx.add.f32.msk $0xffff, v57  }
0x188: {  	v62 =	vunpack.i.l.bf16.f32 v14;
	[tilespmem:v2+s26+$0x0] =	vst.idx.add.f32.msk $0xffff, v60  }
0x189: {  	v2 =	vunpack.i.l.bf16.f32 v21;
	[tilespmem:v3+s25+$0x0] =	vst.idx.add.f32.msk $0xffff, v62  }
0x18a: {  	[tilespmem:v1+s25+$0x0] =	vst.idx.add.f32.msk $0xffff, v2;
	v2 =	vunpack.i.u.bf16.f32 v6  }
0x18b: {  	v63 =	vunpack.i.u.bf16.f32 v21;
	[tilespmem:v4+s26+$0x0] =	vst.idx.add.f32.msk $0xffff, v2  }
.Ltmp8:
0x18c: {  	v2 =	vunpack.i.u.bf16.f32 v14;
	[tilespmem:v1+s26+$0x0] =	vst.idx.add.f32.msk $0xffff, v63;
	(pc) =	sbr.rel @p0 .LBB2_19-.Ltmp8, $4  }
0x18d: {  	v1 =	vunpack.i.u.bf16.f32 v15;
	[tilespmem:v3+s26+$0x0] =	vst.idx.add.f32.msk $0xffff, v2  }
0x18e: {  	v2 =	vunpack.i.l.bf16.f32 v61;
	[tilespmem:v8+s26+$0x0] =	vst.idx.add.f32.msk $0xffff, v1  }
0x18f: {  	v1 =	vunpack.i.u.bf16.f32 v61;
	[tilespmem:v5+s25+$0x0] =	vst.idx.add.f32.msk $0xffff, v2  }
0x190: {  	[tilespmem:v5+s26+$0x0] =	vst.idx.add.f32.msk $0xffff, v1  }
0x191: {  	s5 =	smul.u32 $0x4800, s17  }
.Ltmp9:
0x192: {  	_ = 	snop;
	(pc) =	sbr.rel .LBB2_14-.Ltmp9, $4  }
0x193: {  	s5 =	sshrl.u32 s5, $0x3  }
0x194: {  	s5 =	sadd.s32 s3, s5  }
0x195: {  	s17 =	sadd.s32 $0x1, s17;
	s5 =	sadd.s32 $0xD80, s5  }
0x196: {  	[tilespmem:s22], [sflag:$0x2] =	stream.linear.gather [hbm4b:s5+s2], $0x2400, $0x38;
	[tilespmem:$0x16100] =	vst v63  }
.LBB2_19:
.Ltmp10:
0x197: {  	(pc) =	sbr.rel .LBB2_20-.Ltmp10, $2  }
0x198: {  	_ =	sdelay $0x2  }
0x199: {  	s5 =	simm.s32 $0x0;
	s8 =	simm.s32 $0x0  }
.LBB2_22:
0x19a: {  	_ = 	snop  }
.LBB2_25:
0x19b: {  	_ =	sdelay $0x3  }
0x19c: {  	s9 =	sadd.s32 s4, s12;
	[tilespmem:v1+s26+$0x0] =	vst.idx.add.f32.msk @p0 $0xffff, v2  }
0x19d: {  	[tilespmem:s29], [sflag:$0x5] =	stream.linear.gather [hbm4b:s9+s2], $0x10, $0x38;
	[tilespmem:$0x16100] =	vst v63  }
0x19e: {  	_ =	swait.ge [sflag:s15], $0x10  }
0x19f: {  	[sflag:s15] =	ssyncset.done $0x0  }
0x1a0: {  	[sflag:s15] =	ssyncadd.s32 $0xFFFFFFF0  }
0x1a1: {  	v1 =	vld [tilespmem:$0x16080];
	_ =	sdelay $0x4  }
0x1a2: {  	v2 =	vand.u32 $0xFFFF, v1;
	_ =	sdelay $0x4  }
0x1a3: {  	v2 =	vld.idx.msk [tilespmem:v2+s24+$0x0], $0xffff  }
0x1a4: {  	v1 =	vshrl.u32 v1, $0x10;
	_ =	sdelay $0x3  }
0x1a5: {  	v3 =	vunpack.i.l.bf16.f32 v2  }
0x1a6: {  	v2 =	vunpack.i.u.bf16.f32 v2;
	[tilespmem:v1+s25+$0x0] =	vst.idx.add.f32.msk $0xffff, v3  }
0x1a7: {  	[tilespmem:v1+s26+$0x0] =	vst.idx.add.f32.msk $0xffff, v2  }
.LBB2_26:
0x1a8: {  	s8 =	sadd.s32 $0x1, s8  }
0x1a9: {  	p0 =	sne.s32 s8, $0x20  }
.Ltmp11:
0x1aa: {  	_ = 	snop;
	(pc) =	sbr.rel @!p0 .LBB2_27-.Ltmp11, $2  }
0x1ab: {  	_ =	sdelay $0x2  }
0x1ac: {  	s5 =	sadd.s32 $0x2720, s5  }
.LBB2_20:
0x1ad: {  	s9 =	sshll.u32 s8, $0x4  }
0x1ae: {  	s9 =	sand.u32 $0x3FFFFFF0, s9  }
0x1af: {  	v1 =	vld [tilespmem:s9+$0x15E80];
	_ =	sdelay $0x4  }
0x1b0: {  	v1 =	vxor.u32 $0x80000000, v1  }
0x1b1: {  	(xrf0) =	vmax.scan.msk.u32 $0xffff, v1;
	_ =	sdelay $0x5  }
0x1b2: {  	v1, _, _ =	vpop (xrf0)  }
0x1b3: {  	(v2sf) =	vpush v1, $0xF;
	_ =	sdelay $0xe  }
0x1b4: {  	s18 =	spop (v2sf)  }
0x1b5: {  	s9 =	sxor.u32 $0x80000000, s18  }
0x1b6: {  	p0 =	slt.s32 s9, $0x1  }
.Ltmp12:
0x1b7: {  	_ = 	snop;
	(pc) =	sbr.rel @p0 .LBB2_26-.Ltmp12, $1  }
0x1b8: {  	_ =	sdelay $0x3  }
0x1b9: {  	p1 =	sne.s32 s9, $0x1  }
.Ltmp13:
0x1ba: {  	_ = 	snop;
	(pc) =	sbr.rel @!p1 .LBB2_22-.Ltmp13, $2  }
0x1bb: {  	_ =	sdelay $0x2  }
0x1bc: {  	s10 =	sadd.s32 $0xFFFFFFFF, s9;
	s12 =	sshrl.u32 s5, $0x3;
	p0 =	por $0x0, $0x0  }
0x1bd: {  	s9 =	sadd.s32 s4, s12  }
0x1be: {  	[tilespmem:s29], [sflag:$0x5] =	stream.linear.gather [hbm4b:s9+s2], $0x10, $0x38;
	[tilespmem:$0x16100] =	vst v63  }
0x1bf: {  	_ =	swait.ge [sflag:s15], $0x10  }
0x1c0: {  	[sflag:s15] =	ssyncset.done $0x0  }
0x1c1: {  	[sflag:s15] =	ssyncadd.s32 $0xFFFFFFF0  }
0x1c2: {  	v1 =	vld [tilespmem:$0x16080];
	_ =	sdelay $0x4  }
0x1c3: {  	v2 =	vand.u32 $0xFFFF, v1;
	_ =	sdelay $0x4  }
0x1c4: {  	v2 =	vld.idx.msk [tilespmem:v2+s24+$0x0], $0xffff  }
0x1c5: {  	p1 =	sne.s32 s10, $0x1;
	v1 =	vshrl.u32 v1, $0x10  }
.Ltmp14:
0x1c6: {  	_ = 	snop;
	(pc) =	sbr.rel @!p1 .LBB2_25-.Ltmp14, $3  }
0x1c7: {  	_ =	sdelay $0x1  }
0x1c8: {  	s9 =	sadd.s32 $0x10, s5;
	v3 =	vunpack.i.l.bf16.f32 v2  }
0x1c9: {  	s10 =	sadd.s32 $0xFFFFFFFF, s10;
	p0 =	por $0x1, $0x1;
	s12 =	sshrl.u32 s9, $0x3;
	v2 =	vunpack.i.u.bf16.f32 v2;
	[tilespmem:v1+s25+$0x0] =	vst.idx.add.f32.msk $0xffff, v3  }
.LBB2_24:
0x1ca: {  	p1 =	sne.s32 s10, $0x1;
	s10 =	sadd.s32 $0xFFFFFFFF, s10;
	s12 =	sadd.s32 s4, s12;
	[tilespmem:v1+s26+$0x0] =	vst.idx.add.f32.msk $0xffff, v2  }
0x1cb: {  	[tilespmem:s29], [sflag:$0x5] =	stream.linear.gather [hbm4b:s12+s2], $0x10, $0x38;
	[tilespmem:$0x16100] =	vst v63  }
0x1cc: {  	_ =	swait.ge [sflag:s15], $0x10  }
0x1cd: {  	[sflag:s15] =	ssyncset.done $0x0  }
0x1ce: {  	[sflag:s15] =	ssyncadd.s32 $0xFFFFFFF0  }
0x1cf: {  	v1 =	vld [tilespmem:$0x16080];
	_ =	sdelay $0x4  }
0x1d0: {  	v2 =	vand.u32 $0xFFFF, v1;
	_ =	sdelay $0x4  }
0x1d1: {  	v2 =	vld.idx.msk [tilespmem:v2+s24+$0x0], $0xffff;
	_ =	sdelay $0x1  }
0x1d2: {  	v1 =	vshrl.u32 v1, $0x10  }
.Ltmp15:
0x1d3: {  	(pc) =	sbr.rel @p1 .LBB2_24-.Ltmp15, $3  }
0x1d4: {  	_ =	sdelay $0x1  }
0x1d5: {  	s9 =	sadd.s32 $0x10, s9;
	v3 =	vunpack.i.l.bf16.f32 v2  }
0x1d6: {  	s12 =	sshrl.u32 s9, $0x3;
	v2 =	vunpack.i.u.bf16.f32 v2;
	[tilespmem:v1+s25+$0x0] =	vst.idx.add.f32.msk $0xffff, v3  }
.Ltmp16:
0x1d7: {  	_ = 	snop;
	(pc) =	sbr.rel .LBB2_25-.Ltmp16, $1  }
0x1d8: {  	_ =	sdelay $0x3  }
.LBB2_27:
0x1d9: {  	_ =	swait.ge [sflag:s30], $0x2710  }
0x1da: {  	[sflag:s30] =	ssyncset.done $0x0  }
0x1db: {  	[sflag:s30] =	ssyncadd.s32 $0xFFFFD8F0  }
0x1dc: {  	_ =	swait.ge [sflag:s31], $0x2710  }
0x1dd: {  	s5 =	sshll.u32 s1, $0x7;
	[sflag:s31] =	ssyncset.done $0x0  }
0x1de: {  	s5 =	sand.u32 $0x3FFFFF80, s5;
	[sflag:s31] =	ssyncadd.s32 $0xFFFFD8F0  }
0x1df: {  	s12 =	simm.s32 $0x9E40;
	v1 =	vld [tilespmem:s5+$0x15C80]  }
0x1e0: {  	s16 =	simm.s32 $0xC5C0;
	v4 =	vld [tilespmem:s12+$0x30]  }
0x1e1: {  	s17 =	simm.s32 $0x40;
	v5 =	vld [tilespmem:s16+$0x30]  }
0x1e2: {  	s18 =	simm.s32 $0x27C0;
	v6 =	vld [tilespmem:s17+$0x30]  }
0x1e3: {  	s8 =	simm.s32 $0x76C0;
	v8 =	vld [tilespmem:s18+$0x30]  }
0x1e4: {  	v9 =	vld [tilespmem:s8+$0x30]  }
0x1e5: {  	v10 =	vld [tilespmem:s16+$0xFFFFFFC0]  }
0x1e6: {  	v2 =	vld [tilespmem:s17+$0xFFFFFFC0]  }
0x1e7: {  	v3 =	vld [tilespmem:s18+$0xFFFFFFC0]  }
0x1e8: {  	v13 =	vld [tilespmem:s8+$0xFFFFFFC0]  }
0x1e9: {  	v11 =	vld [tilespmem:s12+$0xFFFFFFD0]  }
0x1ea: {  	v14 =	vld [tilespmem:s16+$0xFFFFFFD0]  }
0x1eb: {  	v15 =	vld [tilespmem:s17+$0xFFFFFFD0]  }
0x1ec: {  	v17 =	vld [tilespmem:s18+$0xFFFFFFD0]  }
0x1ed: {  	v18 =	vld [tilespmem:s8+$0xFFFFFFD0]  }
0x1ee: {  	v19 =	vld [tilespmem:s12+$0xFFFFFFE0]  }
0x1ef: {  	v20 =	vld [tilespmem:s16+$0xFFFFFFE0]  }
0x1f0: {  	v21 =	vld [tilespmem:s17+$0xFFFFFFE0]  }
0x1f1: {  	v23 =	vld [tilespmem:s18+$0xFFFFFFE0]  }
0x1f2: {  	v24 =	vld [tilespmem:s8+$0xFFFFFFE0]  }
0x1f3: {  	v25 =	vld [tilespmem:s12+$0xFFFFFFF0]  }
0x1f4: {  	v26 =	vld [tilespmem:s16+$0xFFFFFFF0]  }
0x1f5: {  	s5 =	simm.s32 $0x4F40;
	v27 =	vld [tilespmem:s17+$0xFFFFFFF0]  }
0x1f6: {  	v7 =	vld [tilespmem:s5+$0x30]  }
0x1f7: {  	v52 =	vld [tilespmem:s16+$0x0]  }
0x1f8: {  	v16 =	vld [tilespmem:s5+$0xFFFFFFD0]  }
0x1f9: {  	v54 =	vld [tilespmem:s17+$0x0]  }
0x1fa: {  	v22 =	vld [tilespmem:s5+$0xFFFFFFE0]  }
0x1fb: {  	v56 =	vld [tilespmem:s8+$0x0];
	v6 =	vmul.f32 v6, v4;
	v7 =	vmul.f32 v7, v5  }
0x1fc: {  	v57 =	vld [tilespmem:s12+$0x10];
	v4 =	vmul.f32 v8, v4;
	v5 =	vmul.f32 v9, v5  }
0x1fd: {  	v8 =	vld [tilespmem:s18+$0xFFFFFFF0];
	v9 =	vmul.f32 v16, v14;
	v6 =	vadd.f32 v7, v6  }
0x1fe: {  	v14 =	vmul.f32 v18, v14;
	v7 =	vld [tilespmem:s8+$0xFFFFFFF0];
	v4 =	vadd.f32 v5, v4;
	v5 =	vmul.f32 v15, v11  }
0x1ff: {  	v28 =	vld [tilespmem:s5+$0xFFFFFFF0];
	v53 =	vmul.f32 v22, v20;
	v11 =	vmul.f32 v17, v11;
	v6 =	vadd.f32 v6, v1  }
0x200: {  	v55 =	vld [tilespmem:s5+$0x0];
	v20 =	vmul.f32 v24, v20;
	v5 =	vadd.f32 v9, v5;
	v4 =	vadd.f32 v4, v1  }
0x201: {  	v15 =	vld [tilespmem:s12+$0x0];
	v9 =	vmul.f32 v21, v19;
	v19 =	vmul.f32 v23, v19;
	v11 =	vadd.f32 v14, v11;
	[tilespmem:s17+$0x30] =	vst v6  }
0x202: {  	s9 =	simm.s32 $0xED40;
	v14 =	vld [tilespmem:s18+$0x0];
	v8 =	vmul.f32 v8, v25;
	v5 =	vadd.f32 v5, v1;
	[tilespmem:s18+$0x30] =	vst v4;
	v4 =	vpack.i.f32.bf16 v4, v6  }
0x203: {  	v59 =	vld [tilespmem:s16+$0x10];
	v9 =	vadd.f32 v53, v9;
	v7 =	vmul.f32 v7, v26;
	[tilespmem:s9+$0x30] =	vst v4;
	v4 =	vadd.f32 v11, v1  }
0x204: {  	v62 =	vld [tilespmem:s8+$0x10];
	v58 =	vmul.f32 v28, v26;
	v6 =	vadd.f32 v20, v19;
	v11 =	vmul.f32 v27, v25;
	[tilespmem:s17+$0xFFFFFFD0] =	vst v5  }
0x205: {  	v7 =	vadd.f32 v7, v8;
	[tilespmem:s18+$0xFFFFFFD0] =	vst v4;
	v4 =	vpack.i.f32.bf16 v4, v5;
	v5 =	vadd.f32 v9, v1;
	v9 =	vld [tilespmem:s17+$0x10]  }
0x206: {  	v60 =	vmul.f32 v55, v52;
	v6 =	vadd.f32 v6, v1;
	[tilespmem:s9+$0xFFFFFFD0] =	vst v4;
	v4 =	vadd.f32 v58, v11;
	v11 =	vld [tilespmem:s5+$0x10]  }
0x207: {  	v12 =	vld [tilespmem:s5+$0xFFFFFFC0];
	v8 =	vmul.f32 v54, v15;
	v14 =	vmul.f32 v14, v15;
	v61 =	vadd.f32 v7, v1;
	[tilespmem:s17+$0xFFFFFFE0] =	vst v5  }
0x208: {  	v15 =	vld [tilespmem:s18+$0x10];
	v5 =	vpack.i.f32.bf16 v6, v5;
	[tilespmem:s18+$0xFFFFFFE0] =	vst v6;
	v4 =	vadd.f32 v4, v1;
	v6 =	vmul.f32 v56, v52  }
0x209: {  	v7 =	vld [tilespmem:s12+$0x20];
	[tilespmem:s9+$0xFFFFFFE0] =	vst v5;
	v5 =	vadd.f32 v60, v8  }
0x20a: {  	[tilespmem:s17+$0xFFFFFFF0] =	vst v4;
	v4 =	vpack.i.f32.bf16 v61, v4;
	v8 =	vadd.f32 v6, v14;
	v6 =	vld [tilespmem:s16+$0x20]  }
0x20b: {  	v14 =	vmul.f32 v9, v57;
	v9 =	vld [tilespmem:s17+$0x20];
	[tilespmem:s18+$0xFFFFFFF0] =	vst v61;
	v5 =	vadd.f32 v5, v1;
	v11 =	vmul.f32 v11, v59  }
0x20c: {  	[tilespmem:s9+$0xFFFFFFF0] =	vst v4;
	v63 =	vadd.f32 v8, v1;
	v8 =	vld [tilespmem:s5+$0x20]  }
0x20d: {  	v16 =	vmul.f32 v62, v59;
	v15 =	vmul.f32 v15, v57;
	v14 =	vadd.f32 v11, v14;
	[tilespmem:s17+$0x0] =	vst v5;
	v11 =	vld [tilespmem:s18+$0x20]  }
0x20e: {  	s10 =	simm.s32 $0x0;
	v4 =	vmul.f32 v12, v10;
	v12 =	vld [tilespmem:s8+$0x20];
	[tilespmem:s18+$0x0] =	vst v63;
	v17 =	vpack.i.f32.bf16 v63, v5  }
0x20f: {  	s13 =	simm.s32 $0x40;
	s14 =	simm.s32 $0x27C0;
	v5 =	vmul.f32 v13, v10;
	v10 =	vld [tilespmem:s12+$0xFFFFFFC0];
	s12 =	simm.s32 $0x9EC0;
	[tilespmem:s9+$0x0] =	vst v17;
	v13 =	vadd.f32 v14, v1;
	v14 =	vadd.f32 v16, v15  }
.LBB2_28:
0x210: {  	v15 =	vld [tilespmem:s12+$0x30];
	v9 =	vmul.f32 v9, v7;
	s16 =	sadd.s32 $0x80, s16  }
0x211: {  	s13 =	sadd.s32 $0x80, s13;
	v16 =	vld [tilespmem:s16+$0x30];
	v14 =	vadd.f32 v14, v1;
	[tilespmem:s17+$0x10] =	vst v13;
	v8 =	vmul.f32 v8, v6  }
0x212: {  	s5 =	sadd.s32 $0x80, s5;
	v17 =	vld [tilespmem:s13+$0x30];
	v7 =	vmul.f32 v11, v7  }
0x213: {  	s14 =	sadd.s32 $0x80, s14;
	v11 =	vld [tilespmem:s5+$0x30];
	[tilespmem:s18+$0x10] =	vst v14;
	v13 =	vpack.i.f32.bf16 v14, v13;
	v8 =	vadd.f32 v8, v9;
	v6 =	vmul.f32 v12, v6  }
0x214: {  	s8 =	sadd.s32 $0x80, s8;
	v9 =	vld [tilespmem:s14+$0x30];
	v2 =	vmul.f32 v2, v10;
	v3 =	vmul.f32 v3, v10;
	[tilespmem:s9+$0x10] =	vst v13  }
0x215: {  	s10 =	sadd.s32 $0x8, s10;
	v10 =	vld [tilespmem:s8+$0x30];
	v8 =	vadd.f32 v8, v1;
	v6 =	vadd.f32 v6, v7  }
0x216: {  	p0 =	slt.u32 s10, $0x268;
	v7 =	vld [tilespmem:s16+$0xFFFFFFC0];
	v4 =	vadd.f32 v4, v2;
	v3 =	vadd.f32 v5, v3  }
0x217: {  	v2 =	vld [tilespmem:s13+$0xFFFFFFC0];
	v5 =	vadd.f32 v6, v1;
	[tilespmem:s17+$0x20] =	vst v8  }
0x218: {  	v6 =	vld [tilespmem:s5+$0xFFFFFFC0];
	v4 =	vadd.f32 v4, v1;
	v12 =	vadd.f32 v3, v1  }
0x219: {  	v13 =	vmul.f32 v17, v15;
	v11 =	vmul.f32 v11, v16;
	v3 =	vld [tilespmem:s14+$0xFFFFFFC0];
	[tilespmem:s18+$0x20] =	vst v5;
	v5 =	vpack.i.f32.bf16 v5, v8  }
0x21a: {  	v9 =	vmul.f32 v9, v15;
	v8 =	vld [tilespmem:s8+$0xFFFFFFC0];
	v10 =	vmul.f32 v10, v16;
	[tilespmem:s17+$0xFFFFFFC0] =	vst v4;
	v4 =	vpack.i.f32.bf16 v12, v4;
	s17 =	smov.u32 s13  }
0x21b: {  	v11 =	vadd.f32 v11, v13;
	v14 =	vld [tilespmem:s12+$0xFFFFFFD0];
	[tilespmem:s18+$0xFFFFFFC0] =	vst v12;
	s18 =	smov.u32 s14  }
0x21c: {  	v12 =	vld [tilespmem:s16+$0xFFFFFFD0];
	v9 =	vadd.f32 v10, v9;
	[tilespmem:s9+$0xFFFFFFC0] =	vst v4  }
0x21d: {  	v10 =	vadd.f32 v11, v1;
	v4 =	vmul.f32 v6, v7;
	v6 =	vld [tilespmem:s13+$0xFFFFFFD0];
	[tilespmem:s9+$0x20] =	vst v5  }
0x21e: {  	v11 =	vld [tilespmem:s5+$0xFFFFFFD0];
	v9 =	vadd.f32 v9, v1  }
0x21f: {  	v5 =	vmul.f32 v8, v7;
	v7 =	vld [tilespmem:s14+$0xFFFFFFD0];
	[tilespmem:s13+$0x30] =	vst v10  }
0x220: {  	s9 =	sadd.s32 $0x80, s9;
	v8 =	vld [tilespmem:s8+$0xFFFFFFD0];
	[tilespmem:s14+$0x30] =	vst v9;
	v9 =	vpack.i.f32.bf16 v9, v10  }
0x221: {  	v10 =	vld [tilespmem:s12+$0xFFFFFFE0];
	[tilespmem:s9+$0x30] =	vst v9  }
0x222: {  	v6 =	vmul.f32 v6, v14;
	v9 =	vld [tilespmem:s16+$0xFFFFFFE0]  }
0x223: {  	v11 =	vmul.f32 v11, v12;
	v13 =	vld [tilespmem:s13+$0xFFFFFFE0]  }
0x224: {  	v7 =	vmul.f32 v7, v14;
	v14 =	vld [tilespmem:s5+$0xFFFFFFE0]  }
0x225: {  	v6 =	vadd.f32 v11, v6;
	v8 =	vmul.f32 v8, v12;
	v11 =	vld [tilespmem:s14+$0xFFFFFFE0]  }
0x226: {  	v12 =	vld [tilespmem:s8+$0xFFFFFFE0]  }
0x227: {  	v6 =	vadd.f32 v6, v1;
	v7 =	vadd.f32 v8, v7;
	v8 =	vld [tilespmem:s12+$0xFFFFFFF0]  }
0x228: {  	v13 =	vmul.f32 v13, v10;
	v15 =	vld [tilespmem:s16+$0xFFFFFFF0]  }
0x229: {  	v7 =	vadd.f32 v7, v1;
	[tilespmem:s13+$0xFFFFFFD0] =	vst v6;
	v14 =	vmul.f32 v14, v9;
	v16 =	vld [tilespmem:s13+$0xFFFFFFF0]  }
0x22a: {  	v10 =	vmul.f32 v11, v10;
	v11 =	vld [tilespmem:s5+$0xFFFFFFF0]  }
0x22b: {  	[tilespmem:s14+$0xFFFFFFD0] =	vst v7;
	v6 =	vpack.i.f32.bf16 v7, v6;
	v7 =	vadd.f32 v14, v13;
	v9 =	vmul.f32 v12, v9;
	v12 =	vld [tilespmem:s14+$0xFFFFFFF0]  }
0x22c: {  	[tilespmem:s9+$0xFFFFFFD0] =	vst v6;
	v6 =	vld [tilespmem:s8+$0xFFFFFFF0]  }
0x22d: {  	v7 =	vadd.f32 v7, v1;
	v9 =	vadd.f32 v9, v10;
	v10 =	vld [tilespmem:s12+$0x0]  }
0x22e: {  	v13 =	vmul.f32 v16, v8;
	v14 =	vld [tilespmem:s16+$0x0]  }
0x22f: {  	v9 =	vadd.f32 v9, v1;
	[tilespmem:s13+$0xFFFFFFE0] =	vst v7;
	v11 =	vmul.f32 v11, v15;
	v16 =	vld [tilespmem:s13+$0x0]  }
0x230: {  	v8 =	vmul.f32 v12, v8;
	v12 =	vld [tilespmem:s5+$0x0]  }
0x231: {  	[tilespmem:s14+$0xFFFFFFE0] =	vst v9;
	v7 =	vpack.i.f32.bf16 v9, v7;
	v9 =	vadd.f32 v11, v13;
	v6 =	vmul.f32 v6, v15;
	v11 =	vld [tilespmem:s14+$0x0]  }
0x232: {  	[tilespmem:s9+$0xFFFFFFE0] =	vst v7;
	v7 =	vld [tilespmem:s8+$0x0]  }
0x233: {  	v9 =	vadd.f32 v9, v1;
	v6 =	vadd.f32 v6, v8;
	v8 =	vld [tilespmem:s12+$0x10]  }
0x234: {  	v13 =	vmul.f32 v16, v10;
	v15 =	vld [tilespmem:s16+$0x10]  }
0x235: {  	v6 =	vadd.f32 v6, v1;
	[tilespmem:s13+$0xFFFFFFF0] =	vst v9;
	v12 =	vmul.f32 v12, v14;
	v16 =	vld [tilespmem:s13+$0x10]  }
0x236: {  	v10 =	vmul.f32 v11, v10;
	v11 =	vld [tilespmem:s5+$0x10]  }
0x237: {  	[tilespmem:s14+$0xFFFFFFF0] =	vst v6;
	v6 =	vpack.i.f32.bf16 v6, v9;
	v9 =	vadd.f32 v12, v13;
	v7 =	vmul.f32 v7, v14;
	v12 =	vld [tilespmem:s14+$0x10]  }
0x238: {  	[tilespmem:s9+$0xFFFFFFF0] =	vst v6;
	v13 =	vld [tilespmem:s8+$0x10]  }
0x239: {  	v14 =	vadd.f32 v9, v1;
	v9 =	vadd.f32 v7, v10;
	v7 =	vld [tilespmem:s12+$0x20]  }
0x23a: {  	v10 =	vmul.f32 v16, v8;
	v6 =	vld [tilespmem:s16+$0x20]  }
.Ltmp17:
0x23b: {  	v16 =	vadd.f32 v9, v1;
	[tilespmem:s13+$0x0] =	vst v14;
	v11 =	vmul.f32 v11, v15;
	v9 =	vld [tilespmem:s13+$0x20];
	(pc) =	sbr.rel @p0 .LBB2_28-.Ltmp17, $4  }
0x23c: {  	v17 =	vmul.f32 v12, v8;
	v8 =	vld [tilespmem:s5+$0x20]  }
0x23d: {  	[tilespmem:s14+$0x0] =	vst v16;
	v12 =	vpack.i.f32.bf16 v16, v14;
	v14 =	vadd.f32 v11, v10;
	v15 =	vmul.f32 v13, v15;
	v11 =	vld [tilespmem:s14+$0x20]  }
0x23e: {  	[tilespmem:s9+$0x0] =	vst v12;
	v12 =	vld [tilespmem:s8+$0x20]  }
0x23f: {  	v10 =	vld [tilespmem:s12+$0xFFFFFFC0];
	v13 =	vadd.f32 v14, v1;
	v14 =	vadd.f32 v15, v17;
	s12 =	sadd.s32 $0x80, s12  }
0x240: {  	_ =	sdelay $0x1  }
0x241: {  	v9 =	vmul.f32 v9, v7;
	v8 =	vmul.f32 v8, v6  }
0x242: {  	v56 =	vmul.f32 v11, v7;
	v57 =	vmul.f32 v12, v6  }
0x243: {  	v58 =	vadd.f32 v14, v1;
	v8 =	vadd.f32 v8, v9;
	v2 =	vmul.f32 v2, v10  }
0x244: {  	[tilespmem:s17+$0x10] =	vst v13;
	v3 =	vmul.f32 v3, v10;
	v6 =	vadd.f32 v57, v56  }
0x245: {  	[tilespmem:s18+$0x10] =	vst v58;
	v59 =	vpack.i.f32.bf16 v58, v13;
	v8 =	vadd.f32 v8, v1;
	v2 =	vadd.f32 v4, v2  }
0x246: {  	[tilespmem:s9+$0x10] =	vst v59;
	v3 =	vadd.f32 v5, v3;
	v60 =	vadd.f32 v6, v1  }
0x247: {  	[tilespmem:s17+$0x20] =	vst v8;
	v2 =	vadd.f32 v2, v1  }
0x248: {  	v3 =	vadd.f32 v3, v1;
	[tilespmem:s18+$0x20] =	vst v60  }
0x249: {  	[tilespmem:s17+$0xFFFFFFC0] =	vst v2  }
0x24a: {  	v2 =	vpack.i.f32.bf16 v3, v2;
	[tilespmem:s18+$0xFFFFFFC0] =	vst v3  }
0x24b: {  	v3 =	vpack.i.f32.bf16 v60, v8;
	[tilespmem:s9+$0xFFFFFFC0] =	vst v2  }
0x24c: {  	[tilespmem:s9+$0x20] =	vst v3  }
0x24d: {  	v2 =	vld [tilespmem:$0xC500]  }
0x24e: {  	v3 =	vld [tilespmem:$0xEC80]  }
0x24f: {  	v61 =	vld [tilespmem:$0x2700]  }
0x250: {  	v62 =	vld [tilespmem:$0x7600]  }
0x251: {  	v63 =	vld [tilespmem:$0x4E80]  }
0x252: {  	v7 =	vld [tilespmem:$0x9D80];
	_ =	sdelay $0x3  }
0x253: {  	v4 =	vmul.f32 v61, v2;
	v5 =	vmul.f32 v62, v3  }
0x254: {  	v2 =	vmul.f32 v63, v2;
	v3 =	vmul.f32 v7, v3  }
0x255: {  	s1 =	sadd.s32 $0x1, s1;
	v4 =	vadd.f32 v5, v4  }
0x256: {  	p0 =	sne.s32 s1, $0x4;
	v2 =	vadd.f32 v3, v2  }
.Ltmp18:
0x257: {  	v3 =	vadd.f32 v4, v1;
	(pc) =	sbr.rel @p0 .LBB2_5-.Ltmp18, $4  }
0x258: {  	v1 =	vadd.f32 v2, v1  }
0x259: {  	[tilespmem:$0x2700] =	vst v3  }
0x25a: {  	[tilespmem:$0x4E80] =	vst v1;
	v1 =	vpack.i.f32.bf16 v1, v3  }
0x25b: {  	[tilespmem:$0x11400] =	vst v1  }
0x25c: {  	s1 =	rddreg [dreg:$0x7]  }
0x25d: {  	[hbm4b:s1+s2] =	stream.linear.scatter [tilespmem:s2], [sflag:$0x5], $0x2710, $0x38;
	[tilespmem:$0x16100] =	vst v63  }
0x25e: {  	_ =	swait.ge [sflag:s15], $0x2710  }
0x25f: {  	[sflag:s15] =	ssyncset.done $0x0  }
0x260: {  	s5 =	simm.s32 $0x2780;
	s17 =	rddreg [dreg:$0x8];
	[sflag:s15] =	ssyncadd.s32 $0xFFFFD8F0  }
0x261: {  	[hbm4b:s17+s2] =	stream.linear.scatter [tilespmem:s5], [sflag:$0x5], $0x2710, $0x38;
	[tilespmem:$0x16100] =	vst v63  }
0x262: {  	_ =	swait.ge [sflag:s15], $0x2710  }
0x263: {  	s0 =	sadd.s32 $0x1, s0;
	s18 =	rddreg [dreg:$0x9]  }
0x264: {  	p0 =	sne.s32 s0, s18  }
.Ltmp19:
0x265: {  	_ = 	snop;
	(pc) =	sbr.rel @p0 .LBB2_1-.Ltmp19, $3  }
0x266: {  	_ =	sdelay $0x1  }
0x267: {  	[sflag:s15] =	ssyncset.done $0x0  }
0x268: {  	[sflag:s15] =	ssyncadd.s32 $0xFFFFD8F0  }
0x269: {  	_ =	sfence.sel $0x180000  }
0x26a: {  	[bflag:$0x0] =	sbarrier.arrive $0xFFFF  }
0x26b: {  	_ =	strace $0x9000004A  }
0x26c: {  	s0 =	stileid.u32;
	[bflag:$0x2] =	sbarrier.arrive $0xFFFF  }
0x26d: {  	p0 =	sne.s32 s0, $0x0;
	s0 =	rddreg [dreg:$0x2]  }
0x26e: {  	s0 =	sadd.s32 @!p0 $0x100000, s0  }
0x26f: {  	[sflag:s0] =	ssyncadd.tile.s32 @!p0 $0x1;
	_ =	shalt  }
.Lfunc_end2:
_tile_overlayer_lowered:
.L_overlay_start_2:
0x270: {  	(tag) =	ssettag $0x2  }
0x271: {  	s0 =	rddreg [dreg:$0x0];
	s2 =	stileid.u32  }
0x272: {  	s1 =	rddreg [dreg:$0x1];
	p0 =	sne.s32 s2, $0x0  }
0x273: {  	s3 =	rddreg [dreg:$0x2];
	[bflag:$0x3] =	sbarrier.arrive $0xFFFF;
	s2 =	simm.s32 @!p0 $0x1C05  }
0x274: {  	[timem:s3], [sflag:s2] =	dma.local @!p0 [hbm:s0], s1  }
0x275: {  	s0 =	simm.s32 @!p0 $0x5  }
0x276: {  	_ =	swait.ge @!p0 [sflag:s0], s1  }
0x277: {  	s1 =	ssub.s32 @!p0 $0x0, s1;
	[sflag:s0] =	ssyncset.done @!p0 $0x0  }
0x278: {  	[sflag:s0] =	ssyncadd.s32 @!p0 s1  }
0x279: {  	[bflag:$0x3] =	sbarrier.arrive $0xFFFF  }
0x27a: {  	_ =	shalt  }

</sc_bundles>
